<compile_context>
chip_gen: v7x
topology: tpu7x:2x2x1
jax: 0.10.2.dev20260603
libtpu: 0.0.44.dev20260713+nightly
codegen_flags: <defaults>
</compile_context>

<pallas_src>
import functools

import jax
import jax.numpy as jnp
from jax import lax
from jax.experimental import pallas as pl
from jax.experimental.pallas import tpu as pltpu
from jax.experimental.pallas import tpu_sc as plsc

_NORMALIZATION = 0.99
_K_TOP = 100
_C_BLK = 2048
_G1 = 16
_G2 = 256
_CAP_G = 256
_PAD_GID_BASE = None


def _qproj_body(q_ref, wq_ref, qr_ref, qp_ref):
    qr = jnp.dot(q_ref[...], wq_ref[...], preferred_element_type=jnp.float32)
    qr_ref[...] = qr
    qn = jnp.sum(jnp.square(qr), axis=-1, keepdims=True)
    qp_ref[...] = jnp.power(qn, 0.5 * _NORMALIZATION)


def _cproj_body(c_ref, wc_ref, cr_ref):
    cr_ref[...] = jnp.dot(c_ref[...], wc_ref[...], preferred_element_type=jnp.float32)


def _score_body(cr_ref, qr_ref, qp_ref, cp_ref, s_ref, m1_ref, *,
                n_valid, c_blk):
    j = pl.program_id(1)
    dot = lax.dot_general(qr_ref[...], cr_ref[...], (((1,), (1,)), ((), ())),
                          preferred_element_type=jnp.float32)
    score = dot / cp_ref[...].reshape(1, -1) / qp_ref[...]
    col = j * c_blk + lax.broadcasted_iota(jnp.int32, score.shape, 1)
    score = jnp.where(col < n_valid, score, -jnp.inf)
    s_ref[...] = score
    nq = score.shape[0]
    m1_ref[...] = jnp.max(score.reshape(nq, _G1, c_blk // _G1), axis=1)


def _thresh_body(m1_ref, t_ref, *, n_valid, n_pad2):
    m1 = m1_ref[...]
    nq = m1.shape[0]
    m2 = jnp.max(m1.reshape(nq, m1.shape[1] // (_G2 // _G1), _G2 // _G1), axis=2)
    pad = jnp.full((nq, n_pad2 - m2.shape[1]), -jnp.inf, jnp.float32)
    x = jnp.concatenate([m2, pad], axis=1)
    col = lax.broadcasted_iota(jnp.int32, x.shape, 1)
    x = jnp.where(col < n_valid, x, -jnp.inf)

    b = lax.bitcast_convert_type(x, jnp.uint32)
    key = jnp.where(b >> 31 == 1, ~b, b | jnp.uint32(0x80000000))

    def step(i, lo):
        mid = lo | (jnp.uint32(1) << (jnp.uint32(31) - i.astype(jnp.uint32)))
        cnt = jnp.sum((key >= mid).astype(jnp.int32), axis=1, keepdims=True)
        return jnp.where(cnt >= _K_TOP, mid, lo)

    tkey = lax.fori_loop(0, 32, step, jnp.zeros((x.shape[0], 1), jnp.uint32))
    tb = jnp.where(tkey >> 31 == 1, tkey & jnp.uint32(0x7FFFFFFF), ~tkey)
    t = lax.bitcast_convert_type(tb, jnp.float32)
    t_ref[...] = jnp.broadcast_to(t, t_ref.shape)


_CAP_V = 240


def _make_sc_compact(nq, n_groups, rows_per_worker):
    n_pad = n_groups * _G1
    pad_gid = n_groups

    mesh = plsc.VectorSubcoreMesh(core_axis_name="c", subcore_axis_name="s")

    @functools.partial(
        pl.kernel,
        mesh=mesh,
        compiler_params=pltpu.CompilerParams(needs_layout_passes=False),
        out_type=(jax.ShapeDtypeStruct((nq, _CAP_V + 16), jnp.float32),
                  jax.ShapeDtypeStruct((nq, _CAP_V + 16), jnp.int32)),
        scratch_types=[
            pltpu.VMEM((n_pad,), jnp.float32),
            pltpu.VMEM((n_groups,), jnp.float32),
            pltpu.VMEM((16,), jnp.float32),
            pltpu.VMEM((_CAP_G + 16,), jnp.int32),
            pltpu.VMEM((_CAP_V + 16,), jnp.float32),
            pltpu.VMEM((_CAP_V + 16,), jnp.int32),
        ],
    )
    def compact(s_hbm, m1_hbm, t_hbm, osc_hbm, oidx_hbm,
                s_v, m1_v, t_v, gid_v, ov_v, oi_v):
        nc_ = plsc.get_sparse_core_info().num_cores
        wid = lax.axis_index("s") * nc_ + lax.axis_index("c")
        lane = lax.iota(jnp.int32, 16)

        def do_row(i, _):
            r = wid * rows_per_worker + i
            pltpu.sync_copy(t_hbm.at[r], t_v)
            pltpu.sync_copy(m1_hbm.at[r], m1_v)
            pltpu.sync_copy(s_hbm.at[r], s_v)
            tv = t_v[...]

            for kb in range((_CAP_V + 16) // 16):
                ov_v[pl.ds(kb * 16, 16)] = jnp.full((16,), -jnp.inf, jnp.float32)
                oi_v[pl.ds(kb * 16, 16)] = jnp.zeros((16,), jnp.int32)
            for kb in range(_CAP_G // 16 + 1):
                gid_v[pl.ds(kb * 16, 16)] = jnp.full((16,), pad_gid, jnp.int32)

            def scan_step(g, cursor):
                v = m1_v[pl.ds(g * 16, 16)]
                m = v >= tv
                gids = lane + g * 16
                skey = jnp.where(m, gids, pad_gid)
                gid_v[pl.ds(cursor, 16)] = plsc.sort_key_val(skey, skey)[0]
                cnt = jnp.sum(m.astype(jnp.int32))
                return jnp.minimum(cursor + cnt, _CAP_G)

            lax.fori_loop(0, n_groups // 16, scan_step, 0)

            def gather_step(kb, cursor):
                gidv = gid_v[pl.ds(kb * 16, 16)]
                gm = gidv < n_groups
                base = (gidv >> 7) * _C_BLK + (gidv & 127)

                def esub(e, cur):
                    idx = base + e * (_C_BLK // _G1)
                    vals = plsc.load_gather(s_v, [idx], mask=gm)
                    vm = gm & (vals >= tv)
                    vals = jnp.where(vm, vals, -jnp.inf)
                    idxs = jnp.where(vm, idx, 0)
                    skey = jnp.where(vm, lane, lane + 16)
                    ov_v[pl.ds(cur, 16)] = plsc.sort_key_val(skey, vals)[1]
                    oi_v[pl.ds(cur, 16)] = plsc.sort_key_val(skey, idxs)[1]
                    cnt = jnp.sum(vm.astype(jnp.int32))
                    return jnp.minimum(cur + cnt, _CAP_V)

                return lax.fori_loop(0, _G1, esub, cursor)

            lax.fori_loop(0, _CAP_G // 16, gather_step, 0)

            pltpu.sync_copy(ov_v, osc_hbm.at[r])
            pltpu.sync_copy(oi_v, oidx_hbm.at[r])
            return 0

        lax.fori_loop(0, rows_per_worker, do_row, 0)

    return compact


def kernel(query, candidates, Wq, Wc):
    nq, d = query.shape
    nc = candidates.shape[0]
    c_blk = _C_BLK
    n_pad = pl.cdiv(nc, c_blk) * c_blk
    cand = jnp.pad(candidates, ((0, n_pad - nc), (0, 0)))
    nblk = n_pad // c_blk
    n_g1 = n_pad // _G1
    n_g2 = n_pad // _G2

    qr, qp = pl.pallas_call(
        _qproj_body,
        out_shape=(jax.ShapeDtypeStruct((nq, d), jnp.float32),
                   jax.ShapeDtypeStruct((nq, 1), jnp.float32)),
    )(query, Wq)

    cr = pl.pallas_call(
        _cproj_body,
        grid=(nblk,),
        in_specs=[pl.BlockSpec((c_blk, d), lambda j: (j, 0)),
                  pl.BlockSpec((d, d), lambda j: (0, 0))],
        out_specs=pl.BlockSpec((c_blk, d), lambda j: (j, 0)),
        out_shape=jax.ShapeDtypeStruct((n_pad, d), jnp.float32),
    )(cand, Wc)

    cp = jnp.power(jnp.sum(jnp.square(cr), axis=-1), 0.5 * _NORMALIZATION)
    cp = cp.reshape(-1, 1)

    q_blk = min(nq, 256)
    scores, m1 = pl.pallas_call(
        functools.partial(_score_body, n_valid=nc, c_blk=c_blk),
        grid=(nq // q_blk, nblk),
        in_specs=[
            pl.BlockSpec((c_blk, d), lambda i, j: (j, 0)),
            pl.BlockSpec((q_blk, d), lambda i, j: (i, 0)),
            pl.BlockSpec((q_blk, 1), lambda i, j: (i, 0)),
            pl.BlockSpec((c_blk, 1), lambda i, j: (j, 0)),
        ],
        out_specs=(pl.BlockSpec((q_blk, c_blk), lambda i, j: (i, j)),
                   pl.BlockSpec((q_blk, c_blk // _G1), lambda i, j: (i, j))),
        out_shape=(jax.ShapeDtypeStruct((nq, n_pad), jnp.float32),
                   jax.ShapeDtypeStruct((nq, n_g1), jnp.float32)),
    )(cr, qr, qp, cp)

    tq_blk = min(nq, 128)
    t16 = pl.pallas_call(
        functools.partial(_thresh_body, n_valid=n_g2, n_pad2=512),
        grid=(nq // tq_blk,),
        in_specs=[pl.BlockSpec((tq_blk, n_g1), lambda i: (i, 0))],
        out_specs=pl.BlockSpec((tq_blk, 16), lambda i: (i, 0)),
        out_shape=jax.ShapeDtypeStruct((nq, 16), jnp.float32),
    )(m1)

    rows_per_worker = nq // 32
    osc, oidx = _make_sc_compact(nq, n_g1, rows_per_worker)(scores, m1, t16)

    _, si = lax.sort((-osc, oidx), dimension=1, num_keys=2)
    return si[:, :_K_TOP].astype(jnp.int32)

# --- scband reference (transcript-rebuilt; emitter-appended) ---
"""Pipeline reference for scband-retrieval-model-79319456023259 (READ-ONLY COPY).

The authoritative reference and input builder live on the scoring server;
editing this copy changes nothing except your own understanding.
"""

import jax, jax.numpy as jnp
import numpy as np

NORMALIZATION = 0.99
K_TOP = 100


def setup_inputs(seed: int = 0) -> dict:
    key = jax.random.key(seed)
    k1, k2, k3, k4 = jax.random.split(key, 4)
    query = jax.random.normal(k1, (1024, 128), dtype=jnp.float32)
    candidates = jax.random.normal(k2, (100000, 128), dtype=jnp.float32)
    # QueryReduction towers modeled as learned linear projections (layer_sizes=[128])
    Wq = jax.random.normal(k3, (128, 128), dtype=jnp.float32) * 0.05
    Wc = jax.random.normal(k4, (128, 128), dtype=jnp.float32) * 0.05
    return {"query": query, "candidates": candidates, "Wq": Wq, "Wc": Wc}


def _cosine_score(query_reduced, candidate_reduced, normalization):
    query_norm = jnp.sum(jnp.square(query_reduced), axis=-1)
    candidate_norm = jnp.sum(jnp.square(candidate_reduced), axis=-1)
    dot = jnp.matmul(query_reduced, candidate_reduced.T)
    score = dot / jnp.power(candidate_norm, 0.5 * normalization).reshape(1, -1) / jnp.power(query_norm, 0.5 * normalization).reshape(-1, 1)
    return score, query_norm, candidate_norm


def reference(query, candidates, Wq, Wc):
    # query tower reduction
    query_reduced = jnp.matmul(query, Wq)
    # candidate tower reduction over the full (cached) candidate corpus
    candidate_reduced = jnp.matmul(candidates, Wc)
    cosine_score, _, _ = _cosine_score(query_reduced, candidate_reduced, NORMALIZATION)
    _, indices = jax.lax.top_k(cosine_score, K_TOP)
    return indices

if __name__ == "__main__":
    import jax
    _d = setup_inputs()
    print(jax.jit(kernel)(*tuple(_d.values())))

</pallas_src>

<mosaic_0001>
#map = affine_map<(d0, d1) -> (0, 0)>
module attributes {stable_mosaic.version = 14 : i64} {
  func.func @compact(%arg0: i32, %arg1: i32, %arg2: memref<1024x100352xf32, #tpu.memory_space<hbm>>, %arg3: memref<1024x6272xf32, #tpu.memory_space<hbm>>, %arg4: memref<1024x16xf32, #tpu.memory_space<hbm>>, %arg5: memref<1024x256xf32, #tpu.memory_space<hbm>>, %arg6: memref<1024x256xi32, #tpu.memory_space<hbm>>, %arg7: memref<100352xf32, #tpu.memory_space<vmem>>, %arg8: memref<6272xf32, #tpu.memory_space<vmem>>, %arg9: memref<16xf32, #tpu.memory_space<vmem>>, %arg10: memref<272xi32, #tpu.memory_space<vmem>>, %arg11: memref<256xf32, #tpu.memory_space<vmem>>, %arg12: memref<256xi32, #tpu.memory_space<vmem>>) attributes {dimension_semantics = [#tpu.dimension_semantics<core_parallel>, #tpu.dimension_semantics<subcore_parallel>], iteration_bounds = array<i64: 2, 16>, scalar_prefetch = 0 : i64, scratch_operands = 6 : i64, tpu.core_type = #tpu.core_type<sc_vector_subcore>, window_params = [{transform_indices = #map}, {transform_indices = #map}, {transform_indices = #map}, {transform_indices = #map}, {transform_indices = #map}]} {
    %mul3A = arith.constant 2 : i32
    %mul3A_0 = arith.muli %arg1, %mul3A : i32
    %add3A = arith.addi %mul3A_0, %arg0 : i32
    %iota3A = tpu.iota {dimensions = array<i32: 0>} : vector<16xi32>
    %scan3A = arith.constant 0 : i32
    %scan3A_1 = arith.constant 0 : i32
    %scan3A_2 = arith.constant 32 : i32
    %scan3A_3 = arith.addi %scan3A_1, %scan3A_2 : i32
    %scan3A_4 = arith.constant 1 : i32
    %scan3A_5 = scf.for %scan3A_7 = %scan3A_1 to %scan3A_3 step %scan3A_4 iter_args(%scan3A_8 = %scan3A) -> (i32)  : i32 {
      %mul3A_9 = arith.constant 32 : i32
      %mul3A_10 = arith.muli %add3A, %mul3A_9 : i32
      %add3A_11 = arith.addi %mul3A_10, %scan3A_7 : i32
      "tpu.region"() ({
        %run_scoped3A = tpu.sem_alloc : memref<!tpu.dma_semaphore, #tpu.memory_space<semaphore_mem>>
        %dma_start3A = arith.constant 0 : i32
        %dma_start3A_222 = tpu.memref_slice %arg4[%add3A_11, %dma_start3A] : memref<1024x16xf32, #tpu.memory_space<hbm>> -> memref<1x16xf32, #tpu.memory_space<hbm>>
        %dma_start3A_223 = tpu.memref_squeeze %dma_start3A_222 : memref<1x16xf32, #tpu.memory_space<hbm>> -> memref<16xf32, #tpu.memory_space<hbm>>
        %dma_start3A_224 = arith.constant 0 : i32
        %dma_start3A_225 = tpu.memref_slice %arg4[%add3A_11, %dma_start3A_224] : memref<1024x16xf32, #tpu.memory_space<hbm>> -> memref<1x16xf32, #tpu.memory_space<hbm>>
        %dma_start3A_226 = tpu.memref_squeeze %dma_start3A_225 : memref<1x16xf32, #tpu.memory_space<hbm>> -> memref<16xf32, #tpu.memory_space<hbm>>
        tpu.enqueue_dma source(%dma_start3A_226 : memref<16xf32, #tpu.memory_space<hbm>>) target(%arg9 : memref<16xf32, #tpu.memory_space<vmem>>) target_semaphore(%run_scoped3A : memref<!tpu.dma_semaphore, #tpu.memory_space<semaphore_mem>>)
        %dma_wait3A = arith.constant 0 : i32
        %dma_wait3A_227 = tpu.memref_slice %arg4[%add3A_11, %dma_wait3A] : memref<1024x16xf32, #tpu.memory_space<hbm>> -> memref<1x16xf32, #tpu.memory_space<hbm>>
        %dma_wait3A_228 = tpu.memref_squeeze %dma_wait3A_227 : memref<1x16xf32, #tpu.memory_space<hbm>> -> memref<16xf32, #tpu.memory_space<hbm>>
        %dma_wait3A_229 = arith.constant 0 : i32
        %dma_wait3A_230 = tpu.memref_slice %arg4[%add3A_11, %dma_wait3A_229] : memref<1024x16xf32, #tpu.memory_space<hbm>> -> memref<1x16xf32, #tpu.memory_space<hbm>>
        %dma_wait3A_231 = tpu.memref_squeeze %dma_wait3A_230 : memref<1x16xf32, #tpu.memory_space<hbm>> -> memref<16xf32, #tpu.memory_space<hbm>>
        tpu.wait_dma2 semaphore(%run_scoped3A : memref<!tpu.dma_semaphore, #tpu.memory_space<semaphore_mem>>) src(%dma_wait3A_231 : memref<16xf32, #tpu.memory_space<hbm>>) dst(%arg9 : memref<16xf32, #tpu.memory_space<vmem>>)
        tpu.yield
      }) : () -> ()
      "tpu.region"() ({
        %run_scoped3A = tpu.sem_alloc : memref<!tpu.dma_semaphore, #tpu.memory_space<semaphore_mem>>
        %dma_start3A = arith.constant 0 : i32
        %dma_start3A_222 = tpu.memref_slice %arg3[%add3A_11, %dma_start3A] : memref<1024x6272xf32, #tpu.memory_space<hbm>> -> memref<1x6272xf32, #tpu.memory_space<hbm>>
        %dma_start3A_223 = tpu.memref_squeeze %dma_start3A_222 : memref<1x6272xf32, #tpu.memory_space<hbm>> -> memref<6272xf32, #tpu.memory_space<hbm>>
        %dma_start3A_224 = arith.constant 0 : i32
        %dma_start3A_225 = tpu.memref_slice %arg3[%add3A_11, %dma_start3A_224] : memref<1024x6272xf32, #tpu.memory_space<hbm>> -> memref<1x6272xf32, #tpu.memory_space<hbm>>
        %dma_start3A_226 = tpu.memref_squeeze %dma_start3A_225 : memref<1x6272xf32, #tpu.memory_space<hbm>> -> memref<6272xf32, #tpu.memory_space<hbm>>
        tpu.enqueue_dma source(%dma_start3A_226 : memref<6272xf32, #tpu.memory_space<hbm>>) target(%arg8 : memref<6272xf32, #tpu.memory_space<vmem>>) target_semaphore(%run_scoped3A : memref<!tpu.dma_semaphore, #tpu.memory_space<semaphore_mem>>)
        %dma_wait3A = arith.constant 0 : i32
        %dma_wait3A_227 = tpu.memref_slice %arg3[%add3A_11, %dma_wait3A] : memref<1024x6272xf32, #tpu.memory_space<hbm>> -> memref<1x6272xf32, #tpu.memory_space<hbm>>
        %dma_wait3A_228 = tpu.memref_squeeze %dma_wait3A_227 : memref<1x6272xf32, #tpu.memory_space<hbm>> -> memref<6272xf32, #tpu.memory_space<hbm>>
        %dma_wait3A_229 = arith.constant 0 : i32
        %dma_wait3A_230 = tpu.memref_slice %arg3[%add3A_11, %dma_wait3A_229] : memref<1024x6272xf32, #tpu.memory_space<hbm>> -> memref<1x6272xf32, #tpu.memory_space<hbm>>
        %dma_wait3A_231 = tpu.memref_squeeze %dma_wait3A_230 : memref<1x6272xf32, #tpu.memory_space<hbm>> -> memref<6272xf32, #tpu.memory_space<hbm>>
        tpu.wait_dma2 semaphore(%run_scoped3A : memref<!tpu.dma_semaphore, #tpu.memory_space<semaphore_mem>>) src(%dma_wait3A_231 : memref<6272xf32, #tpu.memory_space<hbm>>) dst(%arg8 : memref<6272xf32, #tpu.memory_space<vmem>>)
        tpu.yield
      }) : () -> ()
      "tpu.region"() ({
        %run_scoped3A = tpu.sem_alloc : memref<!tpu.dma_semaphore, #tpu.memory_space<semaphore_mem>>
        %dma_start3A = arith.constant 0 : i32
        %dma_start3A_222 = tpu.memref_slice %arg2[%add3A_11, %dma_start3A] : memref<1024x100352xf32, #tpu.memory_space<hbm>> -> memref<1x100352xf32, #tpu.memory_space<hbm>>
        %dma_start3A_223 = tpu.memref_squeeze %dma_start3A_222 : memref<1x100352xf32, #tpu.memory_space<hbm>> -> memref<100352xf32, #tpu.memory_space<hbm>>
        %dma_start3A_224 = arith.constant 0 : i32
        %dma_start3A_225 = tpu.memref_slice %arg2[%add3A_11, %dma_start3A_224] : memref<1024x100352xf32, #tpu.memory_space<hbm>> -> memref<1x100352xf32, #tpu.memory_space<hbm>>
        %dma_start3A_226 = tpu.memref_squeeze %dma_start3A_225 : memref<1x100352xf32, #tpu.memory_space<hbm>> -> memref<100352xf32, #tpu.memory_space<hbm>>
        tpu.enqueue_dma source(%dma_start3A_226 : memref<100352xf32, #tpu.memory_space<hbm>>) target(%arg7 : memref<100352xf32, #tpu.memory_space<vmem>>) target_semaphore(%run_scoped3A : memref<!tpu.dma_semaphore, #tpu.memory_space<semaphore_mem>>)
        %dma_wait3A = arith.constant 0 : i32
        %dma_wait3A_227 = tpu.memref_slice %arg2[%add3A_11, %dma_wait3A] : memref<1024x100352xf32, #tpu.memory_space<hbm>> -> memref<1x100352xf32, #tpu.memory_space<hbm>>
        %dma_wait3A_228 = tpu.memref_squeeze %dma_wait3A_227 : memref<1x100352xf32, #tpu.memory_space<hbm>> -> memref<100352xf32, #tpu.memory_space<hbm>>
        %dma_wait3A_229 = arith.constant 0 : i32
        %dma_wait3A_230 = tpu.memref_slice %arg2[%add3A_11, %dma_wait3A_229] : memref<1024x100352xf32, #tpu.memory_space<hbm>> -> memref<1x100352xf32, #tpu.memory_space<hbm>>
        %dma_wait3A_231 = tpu.memref_squeeze %dma_wait3A_230 : memref<1x100352xf32, #tpu.memory_space<hbm>> -> memref<100352xf32, #tpu.memory_space<hbm>>
        tpu.wait_dma2 semaphore(%run_scoped3A : memref<!tpu.dma_semaphore, #tpu.memory_space<semaphore_mem>>) src(%dma_wait3A_231 : memref<100352xf32, #tpu.memory_space<hbm>>) dst(%arg7 : memref<100352xf32, #tpu.memory_space<vmem>>)
        tpu.yield
      }) : () -> ()
      %get3A = arith.constant 0 : index
      %get3A_12 = tpu.vector_load %arg9[%get3A] {strides = array<i32>} : memref<16xf32, #tpu.memory_space<vmem>>, vector<16xf32>,
      %broadcast_in_dim3A = arith.constant 0xFF800000 : f32
      %broadcast_in_dim3A_13 = vector.broadcast %broadcast_in_dim3A : f32 to vector<16xf32>
      %swap3A = arith.constant 0 : index
      %swap3A_14 = tpu.vector_load %arg11[%swap3A] {strides = array<i32>} : memref<256xf32, #tpu.memory_space<vmem>>, vector<16xf32>,
      tpu.vector_store %arg11[%swap3A], %broadcast_in_dim3A_13 {strides = array<i32>} : memref<256xf32, #tpu.memory_space<vmem>>, vector<16xf32>,
      %broadcast_in_dim3A_15 = arith.constant 0 : i32
      %broadcast_in_dim3A_16 = vector.broadcast %broadcast_in_dim3A_15 : i32 to vector<16xi32>
      %swap3A_17 = arith.constant 0 : index
      %swap3A_18 = tpu.vector_load %arg12[%swap3A_17] {strides = array<i32>} : memref<256xi32, #tpu.memory_space<vmem>>, vector<16xi32>,
      tpu.vector_store %arg12[%swap3A_17], %broadcast_in_dim3A_16 {strides = array<i32>} : memref<256xi32, #tpu.memory_space<vmem>>, vector<16xi32>,
      %broadcast_in_dim3A_19 = arith.constant 0xFF800000 : f32
      %broadcast_in_dim3A_20 = vector.broadcast %broadcast_in_dim3A_19 : f32 to vector<16xf32>
      %swap3A_21 = arith.constant 16 : index
      %swap3A_22 = tpu.vector_load %arg11[%swap3A_21] {strides = array<i32>} : memref<256xf32, #tpu.memory_space<vmem>>, vector<16xf32>,
      tpu.vector_store %arg11[%swap3A_21], %broadcast_in_dim3A_20 {strides = array<i32>} : memref<256xf32, #tpu.memory_space<vmem>>, vector<16xf32>,
      %broadcast_in_dim3A_23 = arith.constant 0 : i32
      %broadcast_in_dim3A_24 = vector.broadcast %broadcast_in_dim3A_23 : i32 to vector<16xi32>
      %swap3A_25 = arith.constant 16 : index
      %swap3A_26 = tpu.vector_load %arg12[%swap3A_25] {strides = array<i32>} : memref<256xi32, #tpu.memory_space<vmem>>, vector<16xi32>,
      tpu.vector_store %arg12[%swap3A_25], %broadcast_in_dim3A_24 {strides = array<i32>} : memref<256xi32, #tpu.memory_space<vmem>>, vector<16xi32>,
      %broadcast_in_dim3A_27 = arith.constant 0xFF800000 : f32
      %broadcast_in_dim3A_28 = vector.broadcast %broadcast_in_dim3A_27 : f32 to vector<16xf32>
      %swap3A_29 = arith.constant 32 : index
      %swap3A_30 = tpu.vector_load %arg11[%swap3A_29] {strides = array<i32>} : memref<256xf32, #tpu.memory_space<vmem>>, vector<16xf32>,
      tpu.vector_store %arg11[%swap3A_29], %broadcast_in_dim3A_28 {strides = array<i32>} : memref<256xf32, #tpu.memory_space<vmem>>, vector<16xf32>,
      %broadcast_in_dim3A_31 = arith.constant 0 : i32
      %broadcast_in_dim3A_32 = vector.broadcast %broadcast_in_dim3A_31 : i32 to vector<16xi32>
      %swap3A_33 = arith.constant 32 : index
      %swap3A_34 = tpu.vector_load %arg12[%swap3A_33] {strides = array<i32>} : memref<256xi32, #tpu.memory_space<vmem>>, vector<16xi32>,
      tpu.vector_store %arg12[%swap3A_33], %broadcast_in_dim3A_32 {strides = array<i32>} : memref<256xi32, #tpu.memory_space<vmem>>, vector<16xi32>,
      %broadcast_in_dim3A_35 = arith.constant 0xFF800000 : f32
      %broadcast_in_dim3A_36 = vector.broadcast %broadcast_in_dim3A_35 : f32 to vector<16xf32>
      %swap3A_37 = arith.constant 48 : index
      %swap3A_38 = tpu.vector_load %arg11[%swap3A_37] {strides = array<i32>} : memref<256xf32, #tpu.memory_space<vmem>>, vector<16xf32>,
      tpu.vector_store %arg11[%swap3A_37], %broadcast_in_dim3A_36 {strides = array<i32>} : memref<256xf32, #tpu.memory_space<vmem>>, vector<16xf32>,
      %broadcast_in_dim3A_39 = arith.constant 0 : i32
      %broadcast_in_dim3A_40 = vector.broadcast %broadcast_in_dim3A_39 : i32 to vector<16xi32>
      %swap3A_41 = arith.constant 48 : index
      %swap3A_42 = tpu.vector_load %arg12[%swap3A_41] {strides = array<i32>} : memref<256xi32, #tpu.memory_space<vmem>>, vector<16xi32>,
      tpu.vector_store %arg12[%swap3A_41], %broadcast_in_dim3A_40 {strides = array<i32>} : memref<256xi32, #tpu.memory_space<vmem>>, vector<16xi32>,
      %broadcast_in_dim3A_43 = arith.constant 0xFF800000 : f32
      %broadcast_in_dim3A_44 = vector.broadcast %broadcast_in_dim3A_43 : f32 to vector<16xf32>
      %swap3A_45 = arith.constant 64 : index
      %swap3A_46 = tpu.vector_load %arg11[%swap3A_45] {strides = array<i32>} : memref<256xf32, #tpu.memory_space<vmem>>, vector<16xf32>,
      tpu.vector_store %arg11[%swap3A_45], %broadcast_in_dim3A_44 {strides = array<i32>} : memref<256xf32, #tpu.memory_space<vmem>>, vector<16xf32>,
      %broadcast_in_dim3A_47 = arith.constant 0 : i32
      %broadcast_in_dim3A_48 = vector.broadcast %broadcast_in_dim3A_47 : i32 to vector<16xi32>
      %swap3A_49 = arith.constant 64 : index
      %swap3A_50 = tpu.vector_load %arg12[%swap3A_49] {strides = array<i32>} : memref<256xi32, #tpu.memory_space<vmem>>, vector<16xi32>,
      tpu.vector_store %arg12[%swap3A_49], %broadcast_in_dim3A_48 {strides = array<i32>} : memref<256xi32, #tpu.memory_space<vmem>>, vector<16xi32>,
      %broadcast_in_dim3A_51 = arith.constant 0xFF800000 : f32
      %broadcast_in_dim3A_52 = vector.broadcast %broadcast_in_dim3A_51 : f32 to vector<16xf32>
      %swap3A_53 = arith.constant 80 : index
      %swap3A_54 = tpu.vector_load %arg11[%swap3A_53] {strides = array<i32>} : memref<256xf32, #tpu.memory_space<vmem>>, vector<16xf32>,
      tpu.vector_store %arg11[%swap3A_53], %broadcast_in_dim3A_52 {strides = array<i32>} : memref<256xf32, #tpu.memory_space<vmem>>, vector<16xf32>,
      %broadcast_in_dim3A_55 = arith.constant 0 : i32
      %broadcast_in_dim3A_56 = vector.broadcast %broadcast_in_dim3A_55 : i32 to vector<16xi32>
      %swap3A_57 = arith.constant 80 : index
      %swap3A_58 = tpu.vector_load %arg12[%swap3A_57] {strides = array<i32>} : memref<256xi32, #tpu.memory_space<vmem>>, vector<16xi32>,
      tpu.vector_store %arg12[%swap3A_57], %broadcast_in_dim3A_56 {strides = array<i32>} : memref<256xi32, #tpu.memory_space<vmem>>, vector<16xi32>,
      %broadcast_in_dim3A_59 = arith.constant 0xFF800000 : f32
      %broadcast_in_dim3A_60 = vector.broadcast %broadcast_in_dim3A_59 : f32 to vector<16xf32>
      %swap3A_61 = arith.constant 96 : index
      %swap3A_62 = tpu.vector_load %arg11[%swap3A_61] {strides = array<i32>} : memref<256xf32, #tpu.memory_space<vmem>>, vector<16xf32>,
      tpu.vector_store %arg11[%swap3A_61], %broadcast_in_dim3A_60 {strides = array<i32>} : memref<256xf32, #tpu.memory_space<vmem>>, vector<16xf32>,
      %broadcast_in_dim3A_63 = arith.constant 0 : i32
      %broadcast_in_dim3A_64 = vector.broadcast %broadcast_in_dim3A_63 : i32 to vector<16xi32>
      %swap3A_65 = arith.constant 96 : index
      %swap3A_66 = tpu.vector_load %arg12[%swap3A_65] {strides = array<i32>} : memref<256xi32, #tpu.memory_space<vmem>>, vector<16xi32>,
      tpu.vector_store %arg12[%swap3A_65], %broadcast_in_dim3A_64 {strides = array<i32>} : memref<256xi32, #tpu.memory_space<vmem>>, vector<16xi32>,
      %broadcast_in_dim3A_67 = arith.constant 0xFF800000 : f32
      %broadcast_in_dim3A_68 = vector.broadcast %broadcast_in_dim3A_67 : f32 to vector<16xf32>
      %swap3A_69 = arith.constant 112 : index
      %swap3A_70 = tpu.vector_load %arg11[%swap3A_69] {strides = array<i32>} : memref<256xf32, #tpu.memory_space<vmem>>, vector<16xf32>,
      tpu.vector_store %arg11[%swap3A_69], %broadcast_in_dim3A_68 {strides = array<i32>} : memref<256xf32, #tpu.memory_space<vmem>>, vector<16xf32>,
      %broadcast_in_dim3A_71 = arith.constant 0 : i32
      %broadcast_in_dim3A_72 = vector.broadcast %broadcast_in_dim3A_71 : i32 to vector<16xi32>
      %swap3A_73 = arith.constant 112 : index
      %swap3A_74 = tpu.vector_load %arg12[%swap3A_73] {strides = array<i32>} : memref<256xi32, #tpu.memory_space<vmem>>, vector<16xi32>,
      tpu.vector_store %arg12[%swap3A_73], %broadcast_in_dim3A_72 {strides = array<i32>} : memref<256xi32, #tpu.memory_space<vmem>>, vector<16xi32>,
      %broadcast_in_dim3A_75 = arith.constant 0xFF800000 : f32
      %broadcast_in_dim3A_76 = vector.broadcast %broadcast_in_dim3A_75 : f32 to vector<16xf32>
      %swap3A_77 = arith.constant 128 : index
      %swap3A_78 = tpu.vector_load %arg11[%swap3A_77] {strides = array<i32>} : memref<256xf32, #tpu.memory_space<vmem>>, vector<16xf32>,
      tpu.vector_store %arg11[%swap3A_77], %broadcast_in_dim3A_76 {strides = array<i32>} : memref<256xf32, #tpu.memory_space<vmem>>, vector<16xf32>,
      %broadcast_in_dim3A_79 = arith.constant 0 : i32
      %broadcast_in_dim3A_80 = vector.broadcast %broadcast_in_dim3A_79 : i32 to vector<16xi32>
      %swap3A_81 = arith.constant 128 : index
      %swap3A_82 = tpu.vector_load %arg12[%swap3A_81] {strides = array<i32>} : memref<256xi32, #tpu.memory_space<vmem>>, vector<16xi32>,
      tpu.vector_store %arg12[%swap3A_81], %broadcast_in_dim3A_80 {strides = array<i32>} : memref<256xi32, #tpu.memory_space<vmem>>, vector<16xi32>,
      %broadcast_in_dim3A_83 = arith.constant 0xFF800000 : f32
      %broadcast_in_dim3A_84 = vector.broadcast %broadcast_in_dim3A_83 : f32 to vector<16xf32>
      %swap3A_85 = arith.constant 144 : index
      %swap3A_86 = tpu.vector_load %arg11[%swap3A_85] {strides = array<i32>} : memref<256xf32, #tpu.memory_space<vmem>>, vector<16xf32>,
      tpu.vector_store %arg11[%swap3A_85], %broadcast_in_dim3A_84 {strides = array<i32>} : memref<256xf32, #tpu.memory_space<vmem>>, vector<16xf32>,
      %broadcast_in_dim3A_87 = arith.constant 0 : i32
      %broadcast_in_dim3A_88 = vector.broadcast %broadcast_in_dim3A_87 : i32 to vector<16xi32>
      %swap3A_89 = arith.constant 144 : index
      %swap3A_90 = tpu.vector_load %arg12[%swap3A_89] {strides = array<i32>} : memref<256xi32, #tpu.memory_space<vmem>>, vector<16xi32>,
      tpu.vector_store %arg12[%swap3A_89], %broadcast_in_dim3A_88 {strides = array<i32>} : memref<256xi32, #tpu.memory_space<vmem>>, vector<16xi32>,
      %broadcast_in_dim3A_91 = arith.constant 0xFF800000 : f32
      %broadcast_in_dim3A_92 = vector.broadcast %broadcast_in_dim3A_91 : f32 to vector<16xf32>
      %swap3A_93 = arith.constant 160 : index
      %swap3A_94 = tpu.vector_load %arg11[%swap3A_93] {strides = array<i32>} : memref<256xf32, #tpu.memory_space<vmem>>, vector<16xf32>,
      tpu.vector_store %arg11[%swap3A_93], %broadcast_in_dim3A_92 {strides = array<i32>} : memref<256xf32, #tpu.memory_space<vmem>>, vector<16xf32>,
      %broadcast_in_dim3A_95 = arith.constant 0 : i32
      %broadcast_in_dim3A_96 = vector.broadcast %broadcast_in_dim3A_95 : i32 to vector<16xi32>
      %swap3A_97 = arith.constant 160 : index
      %swap3A_98 = tpu.vector_load %arg12[%swap3A_97] {strides = array<i32>} : memref<256xi32, #tpu.memory_space<vmem>>, vector<16xi32>,
      tpu.vector_store %arg12[%swap3A_97], %broadcast_in_dim3A_96 {strides = array<i32>} : memref<256xi32, #tpu.memory_space<vmem>>, vector<16xi32>,
      %broadcast_in_dim3A_99 = arith.constant 0xFF800000 : f32
      %broadcast_in_dim3A_100 = vector.broadcast %broadcast_in_dim3A_99 : f32 to vector<16xf32>
      %swap3A_101 = arith.constant 176 : index
      %swap3A_102 = tpu.vector_load %arg11[%swap3A_101] {strides = array<i32>} : memref<256xf32, #tpu.memory_space<vmem>>, vector<16xf32>,
      tpu.vector_store %arg11[%swap3A_101], %broadcast_in_dim3A_100 {strides = array<i32>} : memref<256xf32, #tpu.memory_space<vmem>>, vector<16xf32>,
      %broadcast_in_dim3A_103 = arith.constant 0 : i32
      %broadcast_in_dim3A_104 = vector.broadcast %broadcast_in_dim3A_103 : i32 to vector<16xi32>
      %swap3A_105 = arith.constant 176 : index
      %swap3A_106 = tpu.vector_load %arg12[%swap3A_105] {strides = array<i32>} : memref<256xi32, #tpu.memory_space<vmem>>, vector<16xi32>,
      tpu.vector_store %arg12[%swap3A_105], %broadcast_in_dim3A_104 {strides = array<i32>} : memref<256xi32, #tpu.memory_space<vmem>>, vector<16xi32>,
      %broadcast_in_dim3A_107 = arith.constant 0xFF800000 : f32
      %broadcast_in_dim3A_108 = vector.broadcast %broadcast_in_dim3A_107 : f32 to vector<16xf32>
      %swap3A_109 = arith.constant 192 : index
      %swap3A_110 = tpu.vector_load %arg11[%swap3A_109] {strides = array<i32>} : memref<256xf32, #tpu.memory_space<vmem>>, vector<16xf32>,
      tpu.vector_store %arg11[%swap3A_109], %broadcast_in_dim3A_108 {strides = array<i32>} : memref<256xf32, #tpu.memory_space<vmem>>, vector<16xf32>,
      %broadcast_in_dim3A_111 = arith.constant 0 : i32
      %broadcast_in_dim3A_112 = vector.broadcast %broadcast_in_dim3A_111 : i32 to vector<16xi32>
      %swap3A_113 = arith.constant 192 : index
      %swap3A_114 = tpu.vector_load %arg12[%swap3A_113] {strides = array<i32>} : memref<256xi32, #tpu.memory_space<vmem>>, vector<16xi32>,
      tpu.vector_store %arg12[%swap3A_113], %broadcast_in_dim3A_112 {strides = array<i32>} : memref<256xi32, #tpu.memory_space<vmem>>, vector<16xi32>,
      %broadcast_in_dim3A_115 = arith.constant 0xFF800000 : f32
      %broadcast_in_dim3A_116 = vector.broadcast %broadcast_in_dim3A_115 : f32 to vector<16xf32>
      %swap3A_117 = arith.constant 208 : index
      %swap3A_118 = tpu.vector_load %arg11[%swap3A_117] {strides = array<i32>} : memref<256xf32, #tpu.memory_space<vmem>>, vector<16xf32>,
      tpu.vector_store %arg11[%swap3A_117], %broadcast_in_dim3A_116 {strides = array<i32>} : memref<256xf32, #tpu.memory_space<vmem>>, vector<16xf32>,
      %broadcast_in_dim3A_119 = arith.constant 0 : i32
      %broadcast_in_dim3A_120 = vector.broadcast %broadcast_in_dim3A_119 : i32 to vector<16xi32>
      %swap3A_121 = arith.constant 208 : index
      %swap3A_122 = tpu.vector_load %arg12[%swap3A_121] {strides = array<i32>} : memref<256xi32, #tpu.memory_space<vmem>>, vector<16xi32>,
      tpu.vector_store %arg12[%swap3A_121], %broadcast_in_dim3A_120 {strides = array<i32>} : memref<256xi32, #tpu.memory_space<vmem>>, vector<16xi32>,
      %broadcast_in_dim3A_123 = arith.constant 0xFF800000 : f32
      %broadcast_in_dim3A_124 = vector.broadcast %broadcast_in_dim3A_123 : f32 to vector<16xf32>
      %swap3A_125 = arith.constant 224 : index
      %swap3A_126 = tpu.vector_load %arg11[%swap3A_125] {strides = array<i32>} : memref<256xf32, #tpu.memory_space<vmem>>, vector<16xf32>,
      tpu.vector_store %arg11[%swap3A_125], %broadcast_in_dim3A_124 {strides = array<i32>} : memref<256xf32, #tpu.memory_space<vmem>>, vector<16xf32>,
      %broadcast_in_dim3A_127 = arith.constant 0 : i32
      %broadcast_in_dim3A_128 = vector.broadcast %broadcast_in_dim3A_127 : i32 to vector<16xi32>
      %swap3A_129 = arith.constant 224 : index
      %swap3A_130 = tpu.vector_load %arg12[%swap3A_129] {strides = array<i32>} : memref<256xi32, #tpu.memory_space<vmem>>, vector<16xi32>,
      tpu.vector_store %arg12[%swap3A_129], %broadcast_in_dim3A_128 {strides = array<i32>} : memref<256xi32, #tpu.memory_space<vmem>>, vector<16xi32>,
      %broadcast_in_dim3A_131 = arith.constant 0xFF800000 : f32
      %broadcast_in_dim3A_132 = vector.broadcast %broadcast_in_dim3A_131 : f32 to vector<16xf32>
      %swap3A_133 = arith.constant 240 : index
      %swap3A_134 = tpu.vector_load %arg11[%swap3A_133] {strides = array<i32>} : memref<256xf32, #tpu.memory_space<vmem>>, vector<16xf32>,
      tpu.vector_store %arg11[%swap3A_133], %broadcast_in_dim3A_132 {strides = array<i32>} : memref<256xf32, #tpu.memory_space<vmem>>, vector<16xf32>,
      %broadcast_in_dim3A_135 = arith.constant 0 : i32
      %broadcast_in_dim3A_136 = vector.broadcast %broadcast_in_dim3A_135 : i32 to vector<16xi32>
      %swap3A_137 = arith.constant 240 : index
      %swap3A_138 = tpu.vector_load %arg12[%swap3A_137] {strides = array<i32>} : memref<256xi32, #tpu.memory_space<vmem>>, vector<16xi32>,
      tpu.vector_store %arg12[%swap3A_137], %broadcast_in_dim3A_136 {strides = array<i32>} : memref<256xi32, #tpu.memory_space<vmem>>, vector<16xi32>,
      %broadcast_in_dim3A_139 = arith.constant 6272 : i32
      %broadcast_in_dim3A_140 = vector.broadcast %broadcast_in_dim3A_139 : i32 to vector<16xi32>
      %swap3A_141 = arith.constant 0 : index
      %swap3A_142 = tpu.vector_load %arg10[%swap3A_141] {strides = array<i32>} : memref<272xi32, #tpu.memory_space<vmem>>, vector<16xi32>,
      tpu.vector_store %arg10[%swap3A_141], %broadcast_in_dim3A_140 {strides = array<i32>} : memref<272xi32, #tpu.memory_space<vmem>>, vector<16xi32>,
      %broadcast_in_dim3A_143 = arith.constant 6272 : i32
      %broadcast_in_dim3A_144 = vector.broadcast %broadcast_in_dim3A_143 : i32 to vector<16xi32>
      %swap3A_145 = arith.constant 16 : index
      %swap3A_146 = tpu.vector_load %arg10[%swap3A_145] {strides = array<i32>} : memref<272xi32, #tpu.memory_space<vmem>>, vector<16xi32>,
      tpu.vector_store %arg10[%swap3A_145], %broadcast_in_dim3A_144 {strides = array<i32>} : memref<272xi32, #tpu.memory_space<vmem>>, vector<16xi32>,
      %broadcast_in_dim3A_147 = arith.constant 6272 : i32
      %broadcast_in_dim3A_148 = vector.broadcast %broadcast_in_dim3A_147 : i32 to vector<16xi32>
      %swap3A_149 = arith.constant 32 : index
      %swap3A_150 = tpu.vector_load %arg10[%swap3A_149] {strides = array<i32>} : memref<272xi32, #tpu.memory_space<vmem>>, vector<16xi32>,
      tpu.vector_store %arg10[%swap3A_149], %broadcast_in_dim3A_148 {strides = array<i32>} : memref<272xi32, #tpu.memory_space<vmem>>, vector<16xi32>,
      %broadcast_in_dim3A_151 = arith.constant 6272 : i32
      %broadcast_in_dim3A_152 = vector.broadcast %broadcast_in_dim3A_151 : i32 to vector<16xi32>
      %swap3A_153 = arith.constant 48 : index
      %swap3A_154 = tpu.vector_load %arg10[%swap3A_153] {strides = array<i32>} : memref<272xi32, #tpu.memory_space<vmem>>, vector<16xi32>,
      tpu.vector_store %arg10[%swap3A_153], %broadcast_in_dim3A_152 {strides = array<i32>} : memref<272xi32, #tpu.memory_space<vmem>>, vector<16xi32>,
      %broadcast_in_dim3A_155 = arith.constant 6272 : i32
      %broadcast_in_dim3A_156 = vector.broadcast %broadcast_in_dim3A_155 : i32 to vector<16xi32>
      %swap3A_157 = arith.constant 64 : index
      %swap3A_158 = tpu.vector_load %arg10[%swap3A_157] {strides = array<i32>} : memref<272xi32, #tpu.memory_space<vmem>>, vector<16xi32>,
      tpu.vector_store %arg10[%swap3A_157], %broadcast_in_dim3A_156 {strides = array<i32>} : memref<272xi32, #tpu.memory_space<vmem>>, vector<16xi32>,
      %broadcast_in_dim3A_159 = arith.constant 6272 : i32
      %broadcast_in_dim3A_160 = vector.broadcast %broadcast_in_dim3A_159 : i32 to vector<16xi32>
      %swap3A_161 = arith.constant 80 : index
      %swap3A_162 = tpu.vector_load %arg10[%swap3A_161] {strides = array<i32>} : memref<272xi32, #tpu.memory_space<vmem>>, vector<16xi32>,
      tpu.vector_store %arg10[%swap3A_161], %broadcast_in_dim3A_160 {strides = array<i32>} : memref<272xi32, #tpu.memory_space<vmem>>, vector<16xi32>,
      %broadcast_in_dim3A_163 = arith.constant 6272 : i32
      %broadcast_in_dim3A_164 = vector.broadcast %broadcast_in_dim3A_163 : i32 to vector<16xi32>
      %swap3A_165 = arith.constant 96 : index
      %swap3A_166 = tpu.vector_load %arg10[%swap3A_165] {strides = array<i32>} : memref<272xi32, #tpu.memory_space<vmem>>, vector<16xi32>,
      tpu.vector_store %arg10[%swap3A_165], %broadcast_in_dim3A_164 {strides = array<i32>} : memref<272xi32, #tpu.memory_space<vmem>>, vector<16xi32>,
      %broadcast_in_dim3A_167 = arith.constant 6272 : i32
      %broadcast_in_dim3A_168 = vector.broadcast %broadcast_in_dim3A_167 : i32 to vector<16xi32>
      %swap3A_169 = arith.constant 112 : index
      %swap3A_170 = tpu.vector_load %arg10[%swap3A_169] {strides = array<i32>} : memref<272xi32, #tpu.memory_space<vmem>>, vector<16xi32>,
      tpu.vector_store %arg10[%swap3A_169], %broadcast_in_dim3A_168 {strides = array<i32>} : memref<272xi32, #tpu.memory_space<vmem>>, vector<16xi32>,
      %broadcast_in_dim3A_171 = arith.constant 6272 : i32
      %broadcast_in_dim3A_172 = vector.broadcast %broadcast_in_dim3A_171 : i32 to vector<16xi32>
      %swap3A_173 = arith.constant 128 : index
      %swap3A_174 = tpu.vector_load %arg10[%swap3A_173] {strides = array<i32>} : memref<272xi32, #tpu.memory_space<vmem>>, vector<16xi32>,
      tpu.vector_store %arg10[%swap3A_173], %broadcast_in_dim3A_172 {strides = array<i32>} : memref<272xi32, #tpu.memory_space<vmem>>, vector<16xi32>,
      %broadcast_in_dim3A_175 = arith.constant 6272 : i32
      %broadcast_in_dim3A_176 = vector.broadcast %broadcast_in_dim3A_175 : i32 to vector<16xi32>
      %swap3A_177 = arith.constant 144 : index
      %swap3A_178 = tpu.vector_load %arg10[%swap3A_177] {strides = array<i32>} : memref<272xi32, #tpu.memory_space<vmem>>, vector<16xi32>,
      tpu.vector_store %arg10[%swap3A_177], %broadcast_in_dim3A_176 {strides = array<i32>} : memref<272xi32, #tpu.memory_space<vmem>>, vector<16xi32>,
      %broadcast_in_dim3A_179 = arith.constant 6272 : i32
      %broadcast_in_dim3A_180 = vector.broadcast %broadcast_in_dim3A_179 : i32 to vector<16xi32>
      %swap3A_181 = arith.constant 160 : index
      %swap3A_182 = tpu.vector_load %arg10[%swap3A_181] {strides = array<i32>} : memref<272xi32, #tpu.memory_space<vmem>>, vector<16xi32>,
      tpu.vector_store %arg10[%swap3A_181], %broadcast_in_dim3A_180 {strides = array<i32>} : memref<272xi32, #tpu.memory_space<vmem>>, vector<16xi32>,
      %broadcast_in_dim3A_183 = arith.constant 6272 : i32
      %broadcast_in_dim3A_184 = vector.broadcast %broadcast_in_dim3A_183 : i32 to vector<16xi32>
      %swap3A_185 = arith.constant 176 : index
      %swap3A_186 = tpu.vector_load %arg10[%swap3A_185] {strides = array<i32>} : memref<272xi32, #tpu.memory_space<vmem>>, vector<16xi32>,
      tpu.vector_store %arg10[%swap3A_185], %broadcast_in_dim3A_184 {strides = array<i32>} : memref<272xi32, #tpu.memory_space<vmem>>, vector<16xi32>,
      %broadcast_in_dim3A_187 = arith.constant 6272 : i32
      %broadcast_in_dim3A_188 = vector.broadcast %broadcast_in_dim3A_187 : i32 to vector<16xi32>
      %swap3A_189 = arith.constant 192 : index
      %swap3A_190 = tpu.vector_load %arg10[%swap3A_189] {strides = array<i32>} : memref<272xi32, #tpu.memory_space<vmem>>, vector<16xi32>,
      tpu.vector_store %arg10[%swap3A_189], %broadcast_in_dim3A_188 {strides = array<i32>} : memref<272xi32, #tpu.memory_space<vmem>>, vector<16xi32>,
      %broadcast_in_dim3A_191 = arith.constant 6272 : i32
      %broadcast_in_dim3A_192 = vector.broadcast %broadcast_in_dim3A_191 : i32 to vector<16xi32>
      %swap3A_193 = arith.constant 208 : index
      %swap3A_194 = tpu.vector_load %arg10[%swap3A_193] {strides = array<i32>} : memref<272xi32, #tpu.memory_space<vmem>>, vector<16xi32>,
      tpu.vector_store %arg10[%swap3A_193], %broadcast_in_dim3A_192 {strides = array<i32>} : memref<272xi32, #tpu.memory_space<vmem>>, vector<16xi32>,
      %broadcast_in_dim3A_195 = arith.constant 6272 : i32
      %broadcast_in_dim3A_196 = vector.broadcast %broadcast_in_dim3A_195 : i32 to vector<16xi32>
      %swap3A_197 = arith.constant 224 : index
      %swap3A_198 = tpu.vector_load %arg10[%swap3A_197] {strides = array<i32>} : memref<272xi32, #tpu.memory_space<vmem>>, vector<16xi32>,
      tpu.vector_store %arg10[%swap3A_197], %broadcast_in_dim3A_196 {strides = array<i32>} : memref<272xi32, #tpu.memory_space<vmem>>, vector<16xi32>,
      %broadcast_in_dim3A_199 = arith.constant 6272 : i32
      %broadcast_in_dim3A_200 = vector.broadcast %broadcast_in_dim3A_199 : i32 to vector<16xi32>
      %swap3A_201 = arith.constant 240 : index
      %swap3A_202 = tpu.vector_load %arg10[%swap3A_201] {strides = array<i32>} : memref<272xi32, #tpu.memory_space<vmem>>, vector<16xi32>,
      tpu.vector_store %arg10[%swap3A_201], %broadcast_in_dim3A_200 {strides = array<i32>} : memref<272xi32, #tpu.memory_space<vmem>>, vector<16xi32>,
      %broadcast_in_dim3A_203 = arith.constant 6272 : i32
      %broadcast_in_dim3A_204 = vector.broadcast %broadcast_in_dim3A_203 : i32 to vector<16xi32>
      %swap3A_205 = arith.constant 256 : index
      %swap3A_206 = tpu.vector_load %arg10[%swap3A_205] {strides = array<i32>} : memref<272xi32, #tpu.memory_space<vmem>>, vector<16xi32>,
      tpu.vector_store %arg10[%swap3A_205], %broadcast_in_dim3A_204 {strides = array<i32>} : memref<272xi32, #tpu.memory_space<vmem>>, vector<16xi32>,
      %scan3A_207 = arith.constant 0 : i32
      %scan3A_208 = arith.constant 0 : i32
      %scan3A_209 = arith.constant 392 : i32
      %scan3A_210 = arith.addi %scan3A_208, %scan3A_209 : i32
      %scan3A_211 = arith.constant 1 : i32
      %scan3A_212 = scf.for %scan3A_222 = %scan3A_208 to %scan3A_210 step %scan3A_211 iter_args(%scan3A_223 = %scan3A_207) -> (i32)  : i32 {
        %mul3A_224 = arith.constant 16 : i32
        %mul3A_225 = arith.muli %scan3A_222, %mul3A_224 : i32
        %get3A_226 = arith.index_cast %mul3A_225 : i32 to index
        %get3A_227 = tpu.vector_load %arg8[%get3A_226] {strides = array<i32>} : memref<6272xf32, #tpu.memory_space<vmem>>, vector<16xf32>,
        %ge3A = arith.cmpf oge, %get3A_227, %get3A_12 : vector<16xf32>
        %mul3A_228 = arith.constant 16 : i32
        %mul3A_229 = arith.muli %scan3A_222, %mul3A_228 : i32
        %add3A_230 = vector.broadcast %mul3A_229 : i32 to vector<16xi32>
        %add3A_231 = arith.addi %iota3A, %add3A_230 : vector<16xi32>
        %jit3A = arith.constant 6272 : i32
        %broadcast_in_dim3A_232 = vector.broadcast %jit3A : i32 to vector<16xi32>
        %select_n3A = arith.select %ge3A, %add3A_231, %broadcast_in_dim3A_232 : vector<16xi1>, vector<16xi32>
        %masked_sort3A = arith.constant dense<true> : vector<16xi1>
        %masked_sort3A_233 = arith.constant -2147483648 : i32
        %masked_sort3A_234 = vector.broadcast %masked_sort3A_233 : i32 to vector<16xi32>
        %masked_sort3A_235 = arith.xori %select_n3A, %masked_sort3A_234 : vector<16xi32>
        %masked_sort3A_236, %masked_sort3A_237, %masked_sort3A_238 = tpu.sort %masked_sort3A_235, %select_n3A masked %masked_sort3A : (vector<16xi32>, vector<16xi32>, vector<16xi1>) -> (vector<16xi1>, vector<16xi32>, vector<16xi32>)
        %masked_sort3A_239 = arith.xori %masked_sort3A_237, %masked_sort3A_234 : vector<16xi32>
        %swap3A_240 = arith.index_cast %scan3A_223 : i32 to index
        %swap3A_241 = tpu.vector_load %arg10[%swap3A_240] {strides = array<i32>} : memref<272xi32, #tpu.memory_space<vmem>>, vector<16xi32>,
        tpu.vector_store %arg10[%swap3A_240], %masked_sort3A_239 {strides = array<i32>} : memref<272xi32, #tpu.memory_space<vmem>>, vector<16xi32>,
        %convert_element_type3A = arith.extui %ge3A : vector<16xi1> to vector<16xi32>
        %reduce_sum3A = arith.constant true
        %reduce_sum3A_242 = vector.broadcast %reduce_sum3A : i1 to vector<16xi1>
        %reduce_sum3A_243 = tpu.scan <sum>, %convert_element_type3A masked %reduce_sum3A_242 : vector<16xi32>, vector<16xi1> -> vector<16xi32>
        %reduce_sum3A_244 = vector.extract %reduce_sum3A_243[15] : i32 from vector<16xi32>
        %add3A_245 = arith.addi %scan3A_223, %reduce_sum3A_244 : i32
        %min3A = arith.constant 256 : i32
        %min3A_246 = arith.minsi %add3A_245, %min3A : i32
        scf.yield %min3A_246 : i32
      }
      %scan3A_213 = arith.constant 392 : i32
      %scan3A_214 = arith.constant 0 : i32
      %scan3A_215 = arith.constant 0 : i32
      %scan3A_216 = arith.constant 16 : i32
      %scan3A_217 = arith.addi %scan3A_215, %scan3A_216 : i32
      %scan3A_218 = arith.constant 1 : i32
      %scan3A_219 = scf.for %scan3A_222 = %scan3A_215 to %scan3A_217 step %scan3A_218 iter_args(%scan3A_223 = %scan3A_214) -> (i32)  : i32 {
        %mul3A_224 = arith.constant 16 : i32
        %mul3A_225 = arith.muli %scan3A_222, %mul3A_224 : i32
        %get3A_226 = arith.index_cast %mul3A_225 : i32 to index
        %get3A_227 = tpu.vector_load %arg10[%get3A_226] {strides = array<i32>} : memref<272xi32, #tpu.memory_space<vmem>>, vector<16xi32>,
        %lt3A = arith.constant 6272 : i32
        %lt3A_228 = vector.broadcast %lt3A : i32 to vector<16xi32>
        %lt3A_229 = arith.cmpi slt, %get3A_227, %lt3A_228 : vector<16xi32>
        %shift_right_arithmetic3A = arith.constant 7 : i32
        %shift_right_arithmetic3A_230 = vector.broadcast %shift_right_arithmetic3A : i32 to vector<16xi32>
        %shift_right_arithmetic3A_231 = arith.shrsi %get3A_227, %shift_right_arithmetic3A_230 : vector<16xi32>
        %mul3A_232 = arith.constant 2048 : i32
        %mul3A_233 = vector.broadcast %mul3A_232 : i32 to vector<16xi32>
        %mul3A_234 = arith.muli %shift_right_arithmetic3A_231, %mul3A_233 : vector<16xi32>
        %and3A = arith.constant 127 : i32
        %and3A_235 = vector.broadcast %and3A : i32 to vector<16xi32>
        %and3A_236 = arith.andi %get3A_227, %and3A_235 : vector<16xi32>
        %add3A_237 = arith.addi %mul3A_234, %and3A_236 : vector<16xi32>
        %scan3A_238 = arith.constant 0 : i32
        %scan3A_239 = arith.constant 16 : i32
        %scan3A_240 = arith.addi %scan3A_238, %scan3A_239 : i32
        %scan3A_241 = arith.constant 1 : i32
        %scan3A_242 = scf.for %scan3A_244 = %scan3A_238 to %scan3A_240 step %scan3A_241 iter_args(%scan3A_245 = %scan3A_223) -> (i32)  : i32 {
          %mul3A_246 = arith.constant 128 : i32
          %mul3A_247 = arith.muli %scan3A_244, %mul3A_246 : i32
          %add3A_248 = vector.broadcast %mul3A_247 : i32 to vector<16xi32>
          %add3A_249 = arith.addi %add3A_237, %add3A_248 : vector<16xi32>
          %gather3A = tpu.vector_load_idx %arg7[%add3A_249] masked %lt3A_229 : memref<100352xf32, #tpu.memory_space<vmem>>[vector<16xi32>], vector<16xf32>, vector<16xi1>
          %ge3A = arith.cmpf oge, %gather3A, %get3A_12 : vector<16xf32>
          %and3A_250 = arith.andi %lt3A_229, %ge3A : vector<16xi1>
          %jit3A = arith.constant 0xFF800000 : f32
          %broadcast_in_dim3A_251 = vector.broadcast %jit3A : f32 to vector<16xf32>
          %select_n3A = arith.select %and3A_250, %gather3A, %broadcast_in_dim3A_251 : vector<16xi1>, vector<16xf32>
          %jit3A_252 = arith.constant 0 : i32
          %broadcast_in_dim3A_253 = vector.broadcast %jit3A_252 : i32 to vector<16xi32>
          %select_n3A_254 = arith.select %and3A_250, %add3A_249, %broadcast_in_dim3A_253 : vector<16xi1>, vector<16xi32>
          %add3A_255 = arith.constant 16 : i32
          %add3A_256 = vector.broadcast %add3A_255 : i32 to vector<16xi32>
          %add3A_257 = arith.addi %iota3A, %add3A_256 : vector<16xi32>
          %select_n3A_258 = arith.select %and3A_250, %iota3A, %add3A_257 : vector<16xi1>, vector<16xi32>
          %masked_sort3A = arith.constant dense<true> : vector<16xi1>
          %masked_sort3A_259 = arith.constant -2147483648 : i32
          %masked_sort3A_260 = vector.broadcast %masked_sort3A_259 : i32 to vector<16xi32>
          %masked_sort3A_261 = arith.xori %select_n3A_258, %masked_sort3A_260 : vector<16xi32>
          %masked_sort3A_262, %masked_sort3A_263, %masked_sort3A_264 = tpu.sort %masked_sort3A_261, %select_n3A masked %masked_sort3A : (vector<16xi32>, vector<16xf32>, vector<16xi1>) -> (vector<16xi1>, vector<16xi32>, vector<16xf32>)
          %masked_sort3A_265 = arith.xori %masked_sort3A_263, %masked_sort3A_260 : vector<16xi32>
          %swap3A_266 = arith.index_cast %scan3A_245 : i32 to index
          %swap3A_267 = tpu.vector_load %arg11[%swap3A_266] {strides = array<i32>} : memref<256xf32, #tpu.memory_space<vmem>>, vector<16xf32>,
          tpu.vector_store %arg11[%swap3A_266], %masked_sort3A_264 {strides = array<i32>} : memref<256xf32, #tpu.memory_space<vmem>>, vector<16xf32>,
          %masked_sort3A_268 = arith.constant dense<true> : vector<16xi1>
          %masked_sort3A_269 = arith.constant -2147483648 : i32
          %masked_sort3A_270 = vector.broadcast %masked_sort3A_269 : i32 to vector<16xi32>
          %masked_sort3A_271 = arith.xori %select_n3A_258, %masked_sort3A_270 : vector<16xi32>
          %masked_sort3A_272, %masked_sort3A_273, %masked_sort3A_274 = tpu.sort %masked_sort3A_271, %select_n3A_254 masked %masked_sort3A_268 : (vector<16xi32>, vector<16xi32>, vector<16xi1>) -> (vector<16xi1>, vector<16xi32>, vector<16xi32>)
          %masked_sort3A_275 = arith.xori %masked_sort3A_273, %masked_sort3A_270 : vector<16xi32>
          %swap3A_276 = arith.index_cast %scan3A_245 : i32 to index
          %swap3A_277 = tpu.vector_load %arg12[%swap3A_276] {strides = array<i32>} : memref<256xi32, #tpu.memory_space<vmem>>, vector<16xi32>,
          tpu.vector_store %arg12[%swap3A_276], %masked_sort3A_274 {strides = array<i32>} : memref<256xi32, #tpu.memory_space<vmem>>, vector<16xi32>,
          %convert_element_type3A = arith.extui %and3A_250 : vector<16xi1> to vector<16xi32>
          %reduce_sum3A = arith.constant true
          %reduce_sum3A_278 = vector.broadcast %reduce_sum3A : i1 to vector<16xi1>
          %reduce_sum3A_279 = tpu.scan <sum>, %convert_element_type3A masked %reduce_sum3A_278 : vector<16xi32>, vector<16xi1> -> vector<16xi32>
          %reduce_sum3A_280 = vector.extract %reduce_sum3A_279[15] : i32 from vector<16xi32>
          %add3A_281 = arith.addi %scan3A_245, %reduce_sum3A_280 : i32
          %min3A = arith.constant 240 : i32
          %min3A_282 = arith.minsi %add3A_281, %min3A : i32
          scf.yield %min3A_282 : i32
        }
        %scan3A_243 = arith.constant 16 : i32
        scf.yield %scan3A_242 : i32
      }
      %scan3A_220 = arith.constant 16 : i32
      "tpu.region"() ({
        %run_scoped3A = tpu.sem_alloc : memref<!tpu.dma_semaphore, #tpu.memory_space<semaphore_mem>>
        %dma_start3A = arith.constant 0 : i32
        %dma_start3A_222 = tpu.memref_slice %arg5[%add3A_11, %dma_start3A] : memref<1024x256xf32, #tpu.memory_space<hbm>> -> memref<1x256xf32, #tpu.memory_space<hbm>>
        %dma_start3A_223 = tpu.memref_squeeze %dma_start3A_222 : memref<1x256xf32, #tpu.memory_space<hbm>> -> memref<256xf32, #tpu.memory_space<hbm>>
        %dma_start3A_224 = arith.constant 0 : i32
        %dma_start3A_225 = tpu.memref_slice %arg5[%add3A_11, %dma_start3A_224] : memref<1024x256xf32, #tpu.memory_space<hbm>> -> memref<1x256xf32, #tpu.memory_space<hbm>>
        %dma_start3A_226 = tpu.memref_squeeze %dma_start3A_225 : memref<1x256xf32, #tpu.memory_space<hbm>> -> memref<256xf32, #tpu.memory_space<hbm>>
        tpu.enqueue_dma source(%arg11 : memref<256xf32, #tpu.memory_space<vmem>>) target(%dma_start3A_226 : memref<256xf32, #tpu.memory_space<hbm>>) target_semaphore(%run_scoped3A : memref<!tpu.dma_semaphore, #tpu.memory_space<semaphore_mem>>)
        %dma_wait3A = arith.constant 0 : i32
        %dma_wait3A_227 = tpu.memref_slice %arg5[%add3A_11, %dma_wait3A] : memref<1024x256xf32, #tpu.memory_space<hbm>> -> memref<1x256xf32, #tpu.memory_space<hbm>>
        %dma_wait3A_228 = tpu.memref_squeeze %dma_wait3A_227 : memref<1x256xf32, #tpu.memory_space<hbm>> -> memref<256xf32, #tpu.memory_space<hbm>>
        %dma_wait3A_229 = arith.constant 0 : i32
        %dma_wait3A_230 = tpu.memref_slice %arg5[%add3A_11, %dma_wait3A_229] : memref<1024x256xf32, #tpu.memory_space<hbm>> -> memref<1x256xf32, #tpu.memory_space<hbm>>
        %dma_wait3A_231 = tpu.memref_squeeze %dma_wait3A_230 : memref<1x256xf32, #tpu.memory_space<hbm>> -> memref<256xf32, #tpu.memory_space<hbm>>
        tpu.wait_dma2 semaphore(%run_scoped3A : memref<!tpu.dma_semaphore, #tpu.memory_space<semaphore_mem>>) src(%arg11 : memref<256xf32, #tpu.memory_space<vmem>>) dst(%dma_wait3A_231 : memref<256xf32, #tpu.memory_space<hbm>>)
        tpu.yield
      }) : () -> ()
      "tpu.region"() ({
        %run_scoped3A = tpu.sem_alloc : memref<!tpu.dma_semaphore, #tpu.memory_space<semaphore_mem>>
        %dma_start3A = arith.constant 0 : i32
        %dma_start3A_222 = tpu.memref_slice %arg6[%add3A_11, %dma_start3A] : memref<1024x256xi32, #tpu.memory_space<hbm>> -> memref<1x256xi32, #tpu.memory_space<hbm>>
        %dma_start3A_223 = tpu.memref_squeeze %dma_start3A_222 : memref<1x256xi32, #tpu.memory_space<hbm>> -> memref<256xi32, #tpu.memory_space<hbm>>
        %dma_start3A_224 = arith.constant 0 : i32
        %dma_start3A_225 = tpu.memref_slice %arg6[%add3A_11, %dma_start3A_224] : memref<1024x256xi32, #tpu.memory_space<hbm>> -> memref<1x256xi32, #tpu.memory_space<hbm>>
        %dma_start3A_226 = tpu.memref_squeeze %dma_start3A_225 : memref<1x256xi32, #tpu.memory_space<hbm>> -> memref<256xi32, #tpu.memory_space<hbm>>
        tpu.enqueue_dma source(%arg12 : memref<256xi32, #tpu.memory_space<vmem>>) target(%dma_start3A_226 : memref<256xi32, #tpu.memory_space<hbm>>) target_semaphore(%run_scoped3A : memref<!tpu.dma_semaphore, #tpu.memory_space<semaphore_mem>>)
        %dma_wait3A = arith.constant 0 : i32
        %dma_wait3A_227 = tpu.memref_slice %arg6[%add3A_11, %dma_wait3A] : memref<1024x256xi32, #tpu.memory_space<hbm>> -> memref<1x256xi32, #tpu.memory_space<hbm>>
        %dma_wait3A_228 = tpu.memref_squeeze %dma_wait3A_227 : memref<1x256xi32, #tpu.memory_space<hbm>> -> memref<256xi32, #tpu.memory_space<hbm>>
        %dma_wait3A_229 = arith.constant 0 : i32
        %dma_wait3A_230 = tpu.memref_slice %arg6[%add3A_11, %dma_wait3A_229] : memref<1024x256xi32, #tpu.memory_space<hbm>> -> memref<1x256xi32, #tpu.memory_space<hbm>>
        %dma_wait3A_231 = tpu.memref_squeeze %dma_wait3A_230 : memref<1x256xi32, #tpu.memory_space<hbm>> -> memref<256xi32, #tpu.memory_space<hbm>>
        tpu.wait_dma2 semaphore(%run_scoped3A : memref<!tpu.dma_semaphore, #tpu.memory_space<semaphore_mem>>) src(%arg12 : memref<256xi32, #tpu.memory_space<vmem>>) dst(%dma_wait3A_231 : memref<256xi32, #tpu.memory_space<hbm>>)
        tpu.yield
      }) : () -> ()
      %scan3A_221 = arith.constant 0 : i32
      scf.yield %scan3A_221 : i32
    }
    %scan3A_6 = arith.constant 32 : i32
    return
  }
}

module attributes {stable_mosaic.version = 14 : i64} {
  func.func @_cproj_body(%arg0: i32, %arg1: memref<2048x128xf32, #tpu.memory_space<vmem>>, %arg2: memref<128x128xf32, #tpu.memory_space<vmem>>, %arg3: memref<2048x128xf32, #tpu.memory_space<vmem>>) attributes {dimension_semantics = [#tpu.dimension_semantics<arbitrary>], iteration_bounds = array<i64: 49>, scalar_prefetch = 0 : i64, scratch_operands = 0 : i64, tpu.core_type = #tpu.core_type<tc>, window_params = [{transform_indices = @transform_0, window_bounds = array<i64: 2048, 128>}, {pipeline_mode = #tpu.pipeline_mode<synchronous>, transform_indices = @transform_1, window_bounds = array<i64: 128, 128>}, {transform_indices = @transform_2, window_bounds = array<i64: 2048, 128>}]} {
    %get3A = arith.constant 0 : index
    %get3A_0 = arith.constant 0 : index
    %get3A_1 = vector.load %arg1[%get3A, %get3A_0] : memref<2048x128xf32, #tpu.memory_space<vmem>>, vector<2048x128xf32>
    %get3A_2 = arith.constant 0 : index
    %get3A_3 = arith.constant 0 : index
    %get3A_4 = vector.load %arg2[%get3A_2, %get3A_3] : memref<128x128xf32, #tpu.memory_space<vmem>>, vector<128x128xf32>
    %dot_general3A = arith.constant dense<0.000000e+00> : vector<2048x128xf32>
    %dot_general3A_5 = tpu.matmul %get3A_1, %get3A_4, %dot_general3A {dimension_numbers = #tpu.dot_dimension_numbers<[1], [0], [0], [1], [0, 0, 1, 1], [], []>, transpose_lhs_hint = false} : vector<2048x128xf32>, vector<128x128xf32>, vector<2048x128xf32> -> vector<2048x128xf32>
    %swap3A = arith.constant 0 : index
    %swap3A_6 = arith.constant 0 : index
    %swap3A_7 = vector.load %arg3[%swap3A, %swap3A_6] : memref<2048x128xf32, #tpu.memory_space<vmem>>, vector<2048x128xf32>
    tpu.vector_store %arg3[%swap3A, %swap3A_6], %dot_general3A_5 {strides = array<i32>} : memref<2048x128xf32, #tpu.memory_space<vmem>>, vector<2048x128xf32>,
    return
  }
  func.func @transform_0(%arg0: i32) -> (i32, i32) {
    %c0_i32 = arith.constant 0 : i32
    %c0_i32_0 = arith.constant 0 : i32
    return %arg0, %c0_i32 : i32, i32
  }
  func.func @transform_1(%arg0: i32) -> (i32, i32) {
    %c0_i32 = arith.constant 0 : i32
    %c0_i32_0 = arith.constant 0 : i32
    %c0_i32_1 = arith.constant 0 : i32
    return %c0_i32, %c0_i32_0 : i32, i32
  }
  func.func @transform_2(%arg0: i32) -> (i32, i32) {
    %c0_i32 = arith.constant 0 : i32
    %c0_i32_0 = arith.constant 0 : i32
    return %arg0, %c0_i32 : i32, i32
  }
}

module attributes {stable_mosaic.version = 14 : i64} {
  func.func @_qproj_body(%arg0: memref<1024x128xf32, #tpu.memory_space<vmem>>, %arg1: memref<128x128xf32, #tpu.memory_space<vmem>>, %arg2: memref<1024x128xf32, #tpu.memory_space<vmem>>, %arg3: memref<1024x1xf32, #tpu.memory_space<vmem>>) attributes {dimension_semantics = [], scalar_prefetch = 0 : i64, scratch_operands = 0 : i64, tpu.core_type = #tpu.core_type<tc>} {
    %get3A = arith.constant 0 : index
    %get3A_0 = arith.constant 0 : index
    %get3A_1 = vector.load %arg0[%get3A, %get3A_0] : memref<1024x128xf32, #tpu.memory_space<vmem>>, vector<1024x128xf32>
    %get3A_2 = arith.constant 0 : index
    %get3A_3 = arith.constant 0 : index
    %get3A_4 = vector.load %arg1[%get3A_2, %get3A_3] : memref<128x128xf32, #tpu.memory_space<vmem>>, vector<128x128xf32>
    %dot_general3A = arith.constant dense<0.000000e+00> : vector<1024x128xf32>
    %dot_general3A_5 = tpu.matmul %get3A_1, %get3A_4, %dot_general3A {dimension_numbers = #tpu.dot_dimension_numbers<[1], [0], [0], [1], [0, 0, 1, 1], [], []>, transpose_lhs_hint = false} : vector<1024x128xf32>, vector<128x128xf32>, vector<1024x128xf32> -> vector<1024x128xf32>
    %swap3A = arith.constant 0 : index
    %swap3A_6 = arith.constant 0 : index
    %swap3A_7 = vector.load %arg2[%swap3A, %swap3A_6] : memref<1024x128xf32, #tpu.memory_space<vmem>>, vector<1024x128xf32>
    tpu.vector_store %arg2[%swap3A, %swap3A_6], %dot_general3A_5 {strides = array<i32>} : memref<1024x128xf32, #tpu.memory_space<vmem>>, vector<1024x128xf32>,
    %square3A = arith.mulf %dot_general3A_5, %dot_general3A_5 : vector<1024x128xf32>
    %reduce_sum3A = arith.constant dense<0.000000e+00> : vector<1024xf32>
    %reduce_sum3A_8 = vector.multi_reduction <add>, %square3A, %reduce_sum3A [1] : vector<1024x128xf32> to vector<1024xf32>
    %broadcast_in_dim3A = vector.shape_cast %reduce_sum3A_8 : vector<1024xf32> to vector<1024x1xf32>
    %pow3A = arith.constant 4.950000e-01 : f32
    %pow3A_9 = vector.broadcast %pow3A : f32 to vector<1024x1xf32>
    %pow3A_10 = math.powf %broadcast_in_dim3A, %pow3A_9 : vector<1024x1xf32>
    %swap3A_11 = arith.constant 0 : index
    %swap3A_12 = arith.constant 0 : index
    %swap3A_13 = vector.load %arg3[%swap3A_11, %swap3A_12] : memref<1024x1xf32, #tpu.memory_space<vmem>>, vector<1024x1xf32>
    tpu.vector_store %arg3[%swap3A_11, %swap3A_12], %pow3A_10 {strides = array<i32>} : memref<1024x1xf32, #tpu.memory_space<vmem>>, vector<1024x1xf32>,
    return
  }
}

module attributes {stable_mosaic.version = 14 : i64} {
  func.func @_score_body(%arg0: i32, %arg1: i32, %arg2: memref<2048x128xf32, #tpu.memory_space<vmem>>, %arg3: memref<256x128xf32, #tpu.memory_space<vmem>>, %arg4: memref<256x1xf32, #tpu.memory_space<vmem>>, %arg5: memref<2048x1xf32, #tpu.memory_space<vmem>>, %arg6: memref<256x2048xf32, #tpu.memory_space<vmem>>, %arg7: memref<256x128xf32, #tpu.memory_space<vmem>>) attributes {dimension_semantics = [#tpu.dimension_semantics<arbitrary>, #tpu.dimension_semantics<arbitrary>], iteration_bounds = array<i64: 4, 49>, scalar_prefetch = 0 : i64, scratch_operands = 0 : i64, tpu.core_type = #tpu.core_type<tc>, window_params = [{transform_indices = @transform_0, window_bounds = array<i64: 2048, 128>}, {transform_indices = @transform_1, window_bounds = array<i64: 256, 128>}, {transform_indices = @transform_2, window_bounds = array<i64: 256, 1>}, {transform_indices = @transform_3, window_bounds = array<i64: 2048, 1>}, {transform_indices = @transform_4, window_bounds = array<i64: 256, 2048>}, {transform_indices = @transform_5, window_bounds = array<i64: 256, 128>}]} {
    %get3A = arith.constant 0 : index
    %get3A_0 = arith.constant 0 : index
    %get3A_1 = vector.load %arg3[%get3A, %get3A_0] : memref<256x128xf32, #tpu.memory_space<vmem>>, vector<256x128xf32>
    %get3A_2 = arith.constant 0 : index
    %get3A_3 = arith.constant 0 : index
    %get3A_4 = vector.load %arg2[%get3A_2, %get3A_3] : memref<2048x128xf32, #tpu.memory_space<vmem>>, vector<2048x128xf32>
    %dot_general3A = arith.constant dense<0.000000e+00> : vector<256x2048xf32>
    %dot_general3A_5 = tpu.matmul %get3A_1, %get3A_4, %dot_general3A {dimension_numbers = #tpu.dot_dimension_numbers<[1], [1], [0], [0], [0, 0, 1, 0], [], []>, transpose_lhs_hint = false} : vector<256x128xf32>, vector<2048x128xf32>, vector<256x2048xf32> -> vector<256x2048xf32>
    %get3A_6 = arith.constant 0 : index
    %get3A_7 = arith.constant 0 : index
    %get3A_8 = vector.load %arg5[%get3A_6, %get3A_7] : memref<2048x1xf32, #tpu.memory_space<vmem>>, vector<2048x1xf32>
    %reshape3A = vector.shape_cast %get3A_8 : vector<2048x1xf32> to vector<1x2048xf32>
    %div3A = vector.broadcast %reshape3A : vector<1x2048xf32> to vector<256x2048xf32>
    %div3A_9 = arith.divf %dot_general3A_5, %div3A : vector<256x2048xf32>
    %get3A_10 = arith.constant 0 : index
    %get3A_11 = arith.constant 0 : index
    %get3A_12 = vector.load %arg4[%get3A_10, %get3A_11] : memref<256x1xf32, #tpu.memory_space<vmem>>, vector<256x1xf32>
    %div3A_13 = vector.broadcast %get3A_12 : vector<256x1xf32> to vector<256x2048xf32>
    %div3A_14 = arith.divf %div3A_9, %div3A_13 : vector<256x2048xf32>
    %mul3A = arith.constant 2048 : i32
    %mul3A_15 = arith.muli %arg1, %mul3A : i32
    %iota3A = tpu.iota {dimensions = array<i32: 1>} : vector<256x2048xi32>
    %add3A = vector.broadcast %mul3A_15 : i32 to vector<256x2048xi32>
    %add3A_16 = arith.addi %add3A, %iota3A : vector<256x2048xi32>
    %lt3A = arith.constant 100000 : i32
    %lt3A_17 = vector.broadcast %lt3A : i32 to vector<256x2048xi32>
    %lt3A_18 = arith.cmpi slt, %add3A_16, %lt3A_17 : vector<256x2048xi32>
    %jit3A = arith.constant 0xFF800000 : f32
    %broadcast_in_dim3A = vector.broadcast %jit3A : f32 to vector<256x2048xf32>
    %select_n3A = arith.select %lt3A_18, %div3A_14, %broadcast_in_dim3A : vector<256x2048xi1>, vector<256x2048xf32>
    %swap3A = arith.constant 0 : index
    %swap3A_19 = arith.constant 0 : index
    %swap3A_20 = vector.load %arg6[%swap3A, %swap3A_19] : memref<256x2048xf32, #tpu.memory_space<vmem>>, vector<256x2048xf32>
    tpu.vector_store %arg6[%swap3A, %swap3A_19], %select_n3A {strides = array<i32>} : memref<256x2048xf32, #tpu.memory_space<vmem>>, vector<256x2048xf32>,
    %reshape3A_21 = vector.shape_cast %select_n3A : vector<256x2048xf32> to vector<256x16x128xf32>
    %reduce_max3A = arith.constant dense<0xFF800000> : vector<256x128xf32>
    %reduce_max3A_22 = vector.multi_reduction <maximumf>, %reshape3A_21, %reduce_max3A [1] : vector<256x16x128xf32> to vector<256x128xf32>
    %swap3A_23 = arith.constant 0 : index
    %swap3A_24 = arith.constant 0 : index
    %swap3A_25 = vector.load %arg7[%swap3A_23, %swap3A_24] : memref<256x128xf32, #tpu.memory_space<vmem>>, vector<256x128xf32>
    tpu.vector_store %arg7[%swap3A_23, %swap3A_24], %reduce_max3A_22 {strides = array<i32>} : memref<256x128xf32, #tpu.memory_space<vmem>>, vector<256x128xf32>,
    return
  }
  func.func @transform_0(%arg0: i32, %arg1: i32) -> (i32, i32) {
    %c0_i32 = arith.constant 0 : i32
    %c0_i32_0 = arith.constant 0 : i32
    return %arg1, %c0_i32 : i32, i32
  }
  func.func @transform_1(%arg0: i32, %arg1: i32) -> (i32, i32) {
    %c0_i32 = arith.constant 0 : i32
    %c0_i32_0 = arith.constant 0 : i32
    return %arg0, %c0_i32 : i32, i32
  }
  func.func @transform_2(%arg0: i32, %arg1: i32) -> (i32, i32) {
    %c0_i32 = arith.constant 0 : i32
    %c0_i32_0 = arith.constant 0 : i32
    return %arg0, %c0_i32 : i32, i32
  }
  func.func @transform_3(%arg0: i32, %arg1: i32) -> (i32, i32) {
    %c0_i32 = arith.constant 0 : i32
    %c0_i32_0 = arith.constant 0 : i32
    return %arg1, %c0_i32 : i32, i32
  }
  func.func @transform_4(%arg0: i32, %arg1: i32) -> (i32, i32) {
    %c0_i32 = arith.constant 0 : i32
    return %arg0, %arg1 : i32, i32
  }
  func.func @transform_5(%arg0: i32, %arg1: i32) -> (i32, i32) {
    %c0_i32 = arith.constant 0 : i32
    return %arg0, %arg1 : i32, i32
  }
}

module attributes {stable_mosaic.version = 14 : i64} {
  func.func @_thresh_body(%arg0: i32, %arg1: memref<128x6272xf32, #tpu.memory_space<vmem>>, %arg2: memref<128x16xf32, #tpu.memory_space<vmem>>) attributes {dimension_semantics = [#tpu.dimension_semantics<arbitrary>], iteration_bounds = array<i64: 8>, scalar_prefetch = 0 : i64, scratch_operands = 0 : i64, tpu.core_type = #tpu.core_type<tc>, window_params = [{transform_indices = @transform_0, window_bounds = array<i64: 128, 6272>}, {transform_indices = @transform_1, window_bounds = array<i64: 128, 16>}]} {
    %get3A = arith.constant 0 : index
    %get3A_0 = arith.constant 0 : index
    %get3A_1 = vector.load %arg1[%get3A, %get3A_0] : memref<128x6272xf32, #tpu.memory_space<vmem>>, vector<128x6272xf32>
    %reshape3A = vector.shape_cast %get3A_1 : vector<128x6272xf32> to vector<128x392x16xf32>
    %reduce_max3A = arith.constant dense<0xFF800000> : vector<128x392xf32>
    %reduce_max3A_2 = vector.multi_reduction <maximumf>, %reshape3A, %reduce_max3A [2] : vector<128x392x16xf32> to vector<128x392xf32>
    %broadcast_in_dim3A = arith.constant 0xFF800000 : f32
    %broadcast_in_dim3A_3 = vector.broadcast %broadcast_in_dim3A : f32 to vector<128x120xf32>
    %concatenate3A = tpu.concatenate %reduce_max3A_2, %broadcast_in_dim3A_3 in 1 : vector<128x392xf32>, vector<128x120xf32> -> vector<128x512xf32>
    %iota3A = tpu.iota {dimensions = array<i32: 1>} : vector<128x512xi32>
    %lt3A = arith.constant 392 : i32
    %lt3A_4 = vector.broadcast %lt3A : i32 to vector<128x512xi32>
    %lt3A_5 = arith.cmpi slt, %iota3A, %lt3A_4 : vector<128x512xi32>
    %jit3A = arith.constant 0xFF800000 : f32
    %broadcast_in_dim3A_6 = vector.broadcast %jit3A : f32 to vector<128x512xf32>
    %select_n3A = arith.select %lt3A_5, %concatenate3A, %broadcast_in_dim3A_6 : vector<128x512xi1>, vector<128x512xf32>
    %bitcast_convert_type3A = tpu.bitcast %select_n3A : vector<128x512xf32> -> vector<128x512xi32>
    %shift_right_logical3A = arith.constant 31 : i32
    %shift_right_logical3A_7 = vector.broadcast %shift_right_logical3A : i32 to vector<128x512xi32>
    %shift_right_logical3A_8 = arith.shrui %bitcast_convert_type3A, %shift_right_logical3A_7 : vector<128x512xi32>
    %eq3A = arith.constant 1 : i32
    %eq3A_9 = vector.broadcast %eq3A : i32 to vector<128x512xi32>
    %eq3A_10 = arith.cmpi eq, %shift_right_logical3A_8, %eq3A_9 : vector<128x512xi32>
    %not3A = arith.constant dense<-1> : vector<128x512xi32>
    %not3A_11 = arith.xori %bitcast_convert_type3A, %not3A : vector<128x512xi32>
    %or3A = arith.constant -2147483648 : i32
    %or3A_12 = vector.broadcast %or3A : i32 to vector<128x512xi32>
    %or3A_13 = arith.ori %bitcast_convert_type3A, %or3A_12 : vector<128x512xi32>
    %select_n3A_14 = arith.select %eq3A_10, %not3A_11, %or3A_13 : vector<128x512xi1>, vector<128x512xi32>
    %broadcast_in_dim3A_15 = arith.constant 0 : i32
    %broadcast_in_dim3A_16 = vector.broadcast %broadcast_in_dim3A_15 : i32 to vector<128x1xi32>
    %scan3A = arith.constant 0 : i32
    %scan3A_17 = arith.constant 32 : i32
    %scan3A_18 = arith.addi %scan3A, %scan3A_17 : i32
    %scan3A_19 = arith.constant 1 : i32
    %scan3A_20 = scf.for %scan3A_38 = %scan3A to %scan3A_18 step %scan3A_19 iter_args(%scan3A_39 = %broadcast_in_dim3A_16) -> (vector<128x1xi32>)  : i32 {
      %sub3A = arith.constant 31 : i32
      %sub3A_40 = arith.subi %sub3A, %scan3A_38 : i32
      %shift_left3A = arith.constant 1 : i32
      %shift_left3A_41 = arith.shli %shift_left3A, %sub3A_40 : i32
      %or3A_42 = vector.broadcast %shift_left3A_41 : i32 to vector<128x1xi32>
      %or3A_43 = arith.ori %scan3A_39, %or3A_42 : vector<128x1xi32>
      %ge3A = vector.broadcast %or3A_43 : vector<128x1xi32> to vector<128x512xi32>
      %ge3A_44 = arith.cmpi uge, %select_n3A_14, %ge3A : vector<128x512xi32>
      %convert_element_type3A = arith.extui %ge3A_44 : vector<128x512xi1> to vector<128x512xi32>
      %reduce_sum3A = arith.constant dense<0> : vector<128xi32>
      %reduce_sum3A_45 = vector.multi_reduction <add>, %convert_element_type3A, %reduce_sum3A [1] : vector<128x512xi32> to vector<128xi32>
      %broadcast_in_dim3A_46 = vector.shape_cast %reduce_sum3A_45 : vector<128xi32> to vector<128x1xi32>
      %ge3A_47 = arith.constant 100 : i32
      %ge3A_48 = vector.broadcast %ge3A_47 : i32 to vector<128x1xi32>
      %ge3A_49 = arith.cmpi sge, %broadcast_in_dim3A_46, %ge3A_48 : vector<128x1xi32>
      %select_n3A_50 = arith.select %ge3A_49, %or3A_43, %scan3A_39 : vector<128x1xi1>, vector<128x1xi32>
      scf.yield %select_n3A_50 : vector<128x1xi32>
    }
    %scan3A_21 = arith.constant 32 : i32
    %shift_right_logical3A_22 = arith.constant 31 : i32
    %shift_right_logical3A_23 = vector.broadcast %shift_right_logical3A_22 : i32 to vector<128x1xi32>
    %shift_right_logical3A_24 = arith.shrui %scan3A_20, %shift_right_logical3A_23 : vector<128x1xi32>
    %eq3A_25 = arith.constant 1 : i32
    %eq3A_26 = vector.broadcast %eq3A_25 : i32 to vector<128x1xi32>
    %eq3A_27 = arith.cmpi eq, %shift_right_logical3A_24, %eq3A_26 : vector<128x1xi32>
    %and3A = arith.constant 2147483647 : i32
    %and3A_28 = vector.broadcast %and3A : i32 to vector<128x1xi32>
    %and3A_29 = arith.andi %scan3A_20, %and3A_28 : vector<128x1xi32>
    %not3A_30 = arith.constant dense<-1> : vector<128x1xi32>
    %not3A_31 = arith.xori %scan3A_20, %not3A_30 : vector<128x1xi32>
    %select_n3A_32 = arith.select %eq3A_27, %and3A_29, %not3A_31 : vector<128x1xi1>, vector<128x1xi32>
    %bitcast_convert_type3A_33 = tpu.bitcast %select_n3A_32 : vector<128x1xi32> -> vector<128x1xf32>
    %broadcast_in_dim3A_34 = vector.shape_cast %bitcast_convert_type3A_33 : vector<128x1xf32> to vector<128x1xf32>
    %broadcast_in_dim3A_35 = vector.broadcast %broadcast_in_dim3A_34 : vector<128x1xf32> to vector<128x16xf32>
    %swap3A = arith.constant 0 : index
    %swap3A_36 = arith.constant 0 : index
    %swap3A_37 = vector.load %arg2[%swap3A, %swap3A_36] : memref<128x16xf32, #tpu.memory_space<vmem>>, vector<128x16xf32>
    tpu.vector_store %arg2[%swap3A, %swap3A_36], %broadcast_in_dim3A_35 {strides = array<i32>} : memref<128x16xf32, #tpu.memory_space<vmem>>, vector<128x16xf32>,
    return
  }
  func.func @transform_0(%arg0: i32) -> (i32, i32) {
    %c0_i32 = arith.constant 0 : i32
    %c0_i32_0 = arith.constant 0 : i32
    return %arg0, %c0_i32 : i32, i32
  }
  func.func @transform_1(%arg0: i32) -> (i32, i32) {
    %c0_i32 = arith.constant 0 : i32
    %c0_i32_0 = arith.constant 0 : i32
    return %arg0, %c0_i32 : i32, i32
  }
}

</mosaic_0001>

<sc_bundles>
// kernel: kernel.7.cloned.1.call-start
scs
__scs_entry_jumppad:
0x0: {  	(pc) =	sbr.rel $0x88, $3  }
0x1: {  	(tag) =	ssettag $0x0;
	lr =	simm.s32 $0x1  }
0x2: {  	[smem:$0x3F9D] =	sst lr;
	_ =	strace $0xD0000000  }
0x3: {  	_ = 	snop  }
0x4: {  	_ = 	snop  }
0x5: {  	_ = 	snop  }
0x6: {  	_ = 	snop  }
0x7: {  	_ = 	snop  }
__scs_overlays_trampoline_lowered:
0x8: {  	[smem:$0x3FAC] =	sst s0  }
0x9: {  	[smem:$0x3FAD] =	sst s1  }
0xa: {  	[smem:$0x3FAE] =	sst s2  }
0xb: {  	[smem:$0x3FAF] =	sst s3  }
0xc: {  	[smem:$0x3FB0] =	sst s4  }
0xd: {  	[smem:$0x3FB1] =	sst s5  }
0xe: {  	[smem:$0x3FB2] =	sst s6  }
0xf: {  	[smem:$0x3FB3] =	sst s7  }
0x10: {  	[smem:$0x3FB4] =	sst s8  }
0x11: {  	[smem:$0x3FB5] =	sst s9;
	s0 =	simm.s32 @!p0 $0x0  }
0x12: {  	s1 =	sld [smem:$0x3F9B];
	s0 =	simm.s32 @p0 $0x1  }
0x13: {  	[smem:$0x3FB6] =	sst s0;
	s0 =	simm.s32 @!p1 $0x0  }
0x14: {  	s2 =	sld [smem:$0x3F9A];
	s0 =	simm.s32 @p1 $0x1  }
0x15: {  	[smem:$0x3FB7] =	sst s0;
	s0 =	simm.s32 @!p2 $0x0  }
0x16: {  	s3 =	sld [smem:$0x3FDB];
	s0 =	simm.s32 @p2 $0x1  }
0x17: {  	s4 =	simm.s32 $0x1BF5;
	[smem:$0x3FB9] =	sst s0  }
0x18: {  	s0 =	sld [smem:$0x3F9C];
	_ =	swait.ge [sflag:s4], $0x0  }
0x19: {  	s7 =	sld [smem:$0x3F9D]  }
0x1a: {  	s8 =	sadd.s32 $0xFFFFE003, lr  }
0x1b: {  	s9 =	sadd.s32 $0xFFFFFEF7, lr;
	s5 =	simm.s32 $0xFFFFFFFF;
	p2 =	slt.u32 s8, $0xFFFFF086  }
0x1c: {  	p1 =	slt.u32 s9, $0xF7A;
	s5 =	simm.s32 @!p2 $0x0  }
0x1d: {  	s5 =	simm.s32 @p1 $0x1;
	p0 =	seq.s32 s7, s2  }
0x1e: {  	s7 =	smul.u32 @!p0 $0xF7A, s2;
	p2 =	seq.s32 @!p0 s5, $0x0  }
0x1f: {  	s9 =	smul.u32 $0xF7A, s1;
	s8 =	simm.s32 @!p0 $0x1BF5;
	p2 =	por !p2, p0  }
0x20: {  	[sflag:s8] =	ssyncset.s32 @!p0 $0xFFFFF086;
	s6 =	sadd.s32 @!p0 s3, s7;
	s7 =	simm.s32 @!p0 $0x108  }
0x21: {  	s3 =	sadd.s32 s3, s9;
	s6 =	sadd.s32 @!p0 $0x88, s6;
	s7 =	simm.s32 @p2 $0x1082  }
0x22: {  	[simem:s7], [sflag:s8] =	dma.local @!p0 [hbm:s6], $0xF7A  }
0x23: {  	s9 =	sor.u32 $0xD0000000, s2;
	s6 =	simm.s32 $0x108;
	_ =	swait.ge @!p0 [sflag:s8], $0x0  }
0x24: {  	s3 =	sadd.s32 $0x88, s3;
	s6 =	simm.s32 @!p1 $0x1082;
	[sflag:s4] =	ssyncset.s32 $0xFFFFF086  }
0x25: {  	[simem:s6], [sflag:s4] =	dma.local [hbm:s3], $0xF7A  }
0x26: {  	[smem:$0x3F9D] =	sst s1;
	(tag) =	ssettag s2;
	_ =	strace s9  }
0x27: {  	s1 =	sld [smem:$0x3FAD]  }
0x28: {  	s2 =	sld [smem:$0x3FAE]  }
0x29: {  	s4 =	sld [smem:$0x3FB0]  }
0x2a: {  	p0 =	seq.s32 s5, $0x0;
	s5 =	sld [smem:$0x3FB1]  }
0x2b: {  	s6 =	sld [smem:$0x3FB2]  }
0x2c: {  	s7 =	sld [smem:$0x3FB3]  }
0x2d: {  	s3 =	simm.s32 $0x108;
	s8 =	sld [smem:$0x3FB4]  }
0x2e: {  	s3 =	simm.s32 @!p0 $0x1082;
	s9 =	sld [smem:$0x3FB5]  }
0x2f: {  	lr =	sadd.s32 s0, s3;
	s0 =	sld [smem:$0x3FAC]  }
0x30: {  	s3 =	sld [smem:$0x3FAF]  }
0x31: {  	[smem:$0x3FB8] =	sst s10  }
0x32: {  	s10 =	sld [smem:$0x3FB6];
	_ =	sdelay $0x3  }
0x33: {  	p0 =	seq.s32 s10, $0x1;
	s10 =	sld [smem:$0x3FB8];
	_ =	sdelay $0x3  }
0x34: {  	[smem:$0x3FB8] =	sst s10  }
0x35: {  	s10 =	sld [smem:$0x3FB7];
	_ =	sdelay $0x3  }
0x36: {  	p1 =	seq.s32 s10, $0x1;
	s10 =	sld [smem:$0x3FB8];
	_ =	sdelay $0x3  }
0x37: {  	[smem:$0x3FB8] =	sst s10  }
0x38: {  	s10 =	sld [smem:$0x3FB9]  }
0x39: {  	_ = 	snop;
	(pc) =	sbr.ind lr, $3  }
0x3a: {  	_ = 	snop  }
0x3b: {  	_ = 	snop  }
0x3c: {  	p2 =	seq.s32 s10, $0x1;
	s10 =	sld [smem:$0x3FB8]  }
0x3d: {  	_ =	shalt  }
0x3e: {  	_ =	shalt  }
0x3f: {  	_ =	shalt  }
0x40: {  	_ =	shalt  }
0x41: {  	_ =	shalt  }
0x42: {  	_ =	shalt  }
0x43: {  	_ =	shalt  }
0x44: {  	_ =	shalt  }
0x45: {  	_ =	shalt  }
0x46: {  	_ =	shalt  }
0x47: {  	_ =	shalt  }
0x48: {  	_ =	shalt  }
0x49: {  	_ =	shalt  }
0x4a: {  	_ =	shalt  }
0x4b: {  	_ =	shalt  }
0x4c: {  	_ =	shalt  }
0x4d: {  	_ =	shalt  }
0x4e: {  	_ =	shalt  }
0x4f: {  	_ =	shalt  }
0x50: {  	_ =	shalt  }
0x51: {  	_ =	shalt  }
0x52: {  	_ =	shalt  }
0x53: {  	_ =	shalt  }
0x54: {  	_ =	shalt  }
0x55: {  	_ =	shalt  }
0x56: {  	_ =	shalt  }
0x57: {  	_ =	shalt  }
0x58: {  	_ =	shalt  }
0x59: {  	_ =	shalt  }
0x5a: {  	_ =	shalt  }
0x5b: {  	_ =	shalt  }
0x5c: {  	_ =	shalt  }
0x5d: {  	_ =	shalt  }
0x5e: {  	_ =	shalt  }
0x5f: {  	_ =	shalt  }
0x60: {  	_ =	shalt  }
0x61: {  	_ =	shalt  }
0x62: {  	_ =	shalt  }
0x63: {  	_ =	shalt  }
0x64: {  	_ =	shalt  }
0x65: {  	_ =	shalt  }
0x66: {  	_ =	shalt  }
0x67: {  	_ =	shalt  }
0x68: {  	_ =	shalt  }
0x69: {  	_ =	shalt  }
0x6a: {  	_ =	shalt  }
0x6b: {  	_ =	shalt  }
0x6c: {  	_ =	shalt  }
0x6d: {  	_ =	shalt  }
0x6e: {  	_ =	shalt  }
0x6f: {  	_ =	shalt  }
0x70: {  	_ =	shalt  }
0x71: {  	_ =	shalt  }
0x72: {  	_ =	shalt  }
0x73: {  	_ =	shalt  }
0x74: {  	_ =	shalt  }
0x75: {  	_ =	shalt  }
0x76: {  	_ =	shalt  }
0x77: {  	_ =	shalt  }
0x78: {  	_ =	shalt  }
0x79: {  	_ =	shalt  }
0x7a: {  	_ =	shalt  }
0x7b: {  	_ =	shalt  }
0x7c: {  	_ =	shalt  }
0x7d: {  	_ =	shalt  }
0x7e: {  	_ =	shalt  }
0x7f: {  	_ =	shalt  }
0x80: {  	_ =	shalt  }
0x81: {  	_ =	shalt  }
0x82: {  	_ =	shalt  }
0x83: {  	_ =	shalt  }
0x84: {  	_ =	shalt  }
0x85: {  	_ =	shalt  }
0x86: {  	_ =	shalt  }
0x87: {  	_ =	shalt  }
.Lfunc_end0:
.L_simem_size_0:
called_computation_lowered:
.L_overlay_start_0:
0x88: {  	s2 =	sld [smem:$0x3FD9]  }
0x89: {  	s3 =	sld [smem:$0x3FFE];
	_ =	sdelay $0x1  }
0x8a: {  	s1 =	srdreg.scid  }
0x8b: {  	s0 =	sand.u32 $0x1, s1  }
0x8c: {  	s16 =	sshll.u32 s0, $0xA;
	s2 =	sadd.s32 s3, s2  }
0x8d: {  	s2 =	sadd.s32 s2, s16  }
0x8e: {  	[smem:$0x3FC4] =	sst s2  }
0x8f: {  	_ = 	snop  }
0x90: {  	(tm) =	ssettm $0x1  }
0x91: {  	s17 =	sld [smem:$0x3FFB];
	_ =	sdelay $0x3  }
0x92: {  	_ =	strace s17  }
0x93: {  	s2 =	sld [smem:$0x3FFC];
	_ =	sdelay $0x3  }
0x94: {  	_ =	strace s2  }
0x95: {  	s2 =	sld [smem:$0x3FFD];
	_ =	sdelay $0x3  }
0x96: {  	_ =	strace s2  }
0x97: {  	_ =	strace $0x8FFFFFFF  }
0x98: {  	s18 =	sld [smem:$0x3FDB];
	_ =	sdelay $0x1  }
0x99: {  	s19 =	simm.s32 $_scs_section_size  }
0x9a: {  	s4 =	simm.s32 $_size__tile_overlayer_lowered;
	s5 =	simm.s32 $_tile_overlayer_lowered  }
0x9b: {  	s22 =	simm.s32 $0x1BFF;
	s21 =	sshll.u32 s5, $0x1;
	s2 =	sadd.s32 s19, s18  }
0x9c: {  	s6 =	simm.s32 $0x0;
	s20 =	sshll.u32 s4, $0x1;
	s4 =	sadd.s32 s21, s2  }
0x9d: {  	[timem:s6], [sflag:s22] =	dma.local [hbm:s4], s20  }
0x9e: {  	_ =	swait.ge [sflag:s22], s20  }
0x9f: {  	s3 =	ssub.s32 $0x0, s20;
	[sflag:s22] =	ssyncset.done $0x0  }
0xa0: {  	[sflag:s22] =	ssyncadd.s32 s3;
	_ =	sdelay $0x1  }
0xa1: {  	s23 =	simm.s32 $0x1B8B  }
0xa2: {  	_ =	swait.ge [sflag:s23], $0x1  }
0xa3: {  	[sflag:s23] =	ssyncset.done $0x0  }
0xa4: {  	s25 =	simm.s32 $0x1B8E;
	s24 =	sld [smem:$0x3FFE];
	[sflag:s23] =	ssyncadd.s32 $0xFFFFFFFF  }
0xa5: {  	s26 =	simm.s32 $execute0_lowered;
	[smem:$0x3FD2] =	sst s25  }
0xa6: {  	s4 =	sshll.u32 s26, $0x1;
	_ =	strace $0x80000046;
	[dreg:$0x1] =	wrdreg $0xFFFFFFFF  }
0xa7: {  	s28 =	simm.s32 $_size_execute0_lowered;
	s2 =	sadd.s32 s2, s4;
	[dreg:$0x0] =	wrdreg $0x0  }
0xa8: {  	s4 =	sshll.u32 s28, $0x1;
	[dreg:$0x2] =	wrdreg s2  }
0xa9: {  	[dreg:$0x3] =	wrdreg s4  }
0xaa: {  	[dreg:$0x4] =	wrdreg $0xC0  }
0xab: {  	_ =	task [dreg:s6], $0x5FFFF  }
0xac: {  	[dreg:$0x1] =	wrdreg $0xFFFFFFFF  }
0xad: {  	[dreg:$0x0] =	wrdreg $0x60  }
0xae: {  	[dreg:$0x2] =	wrdreg s24  }
0xaf: {  	[dreg:$0x3] =	wrdreg $0x9  }
0xb0: {  	_ =	task.clear_ibuf [dreg:s6], $0x4FFFF;
	_ =	strace $0x90000046  }
0xb1: {  	s29 =	simm.s32 $0x9;
	_ =	strace $0x80000048  }
0xb2: {  	_ =	swait.ge [sflag:s29], $0x1  }
0xb3: {  	[sflag:s29] =	ssyncadd.s32 $0xFFFFFFFF  }
0xb4: {  	_ =	strace $0x90000048  }
0xb5: {  	_ =	sfence  }
0xb6: {  	s30 =	sld [smem:$0x0];
	_ =	sdelay $0x2  }
0xb7: {  	s31 =	sshll.u32 s1, $0xD;
	s1 =	sshrl.u32 s1, $0x2  }
0xb8: {  	s3 =	sand.u32 $0x4000, s31;
	s1 =	sadd.s32 s1, s30  }
0xb9: {  	s0 =	sor.u32 s3, s0;
	s1 =	sshll.u32 s1, $0x11  }
0xba: {  	s0 =	sor.u32 s1, s0  }
0xbb: {  	s0 =	sadd.s32 $0x8F2B, s0  }
0xbc: {  	[sflag:s0] =	ssyncadd.remote.s32 $0x1  }
0xbd: {  	_ =	sfence.sel $0xFFFF  }
0xbe: {  	[dreg:$0x0] =	wrdreg $0xFFFFFFFF;
	(pc) =	sbr.abs _section_cstart, $3  }
0xbf: {  	[dreg:$0x1] =	wrdreg $0xFFFFFFFF  }
0xc0: {  	_ =	task.clear_ibuf [dreg:s6], $0x2FFFF;
	_ =	strace $0x9FFFFFFF  }
0xc1: {  	(tm) =	ssettm $0x7FFFFFFF  }
tec
execute0_lowered:
.L_overlay_start_1:
0x0: {  	(tag) =	ssettag $0x1  }
0x1: {  	s1 =	rddreg [dreg:$0x0]  }
0x2: {  	s0 =	rddreg [dreg:$0x1]  }
0x3: {  	s2 =	simm.s32 $0x0;
	s4 =	srdreg.scid;
	s11 =	simm.s32 $0x1  }
0x4: {  	s12 =	simm.s32 $0x80;
	s13 =	simm.s32 $0x400;
	s14 =	simm.s32 $0x1A280  }
0x5: {  	s15 =	simm.s32 $0x1A380;
	s16 =	simm.s32 $0x0;
	[smem:$0x7FF] =	sst s2  }
0x6: {  	s3 =	sadd.s32 $0x310000, s1;
	s8 =	sand.u32 $0x1, s4;
	s5 =	sadd.s32 $0xF50000, s1  }
0x7: {  	s6 =	sadd.s32 $0x4000, s1;
	s7 =	sadd.s32 $0xC000, s1;
	s9 =	ssub.s32 $0x2, s8  }
0x8: {  	s4 =	stileid.u32;
	_ =	strace $0x80000047;
	s10 =	sshrl.u32 s9, $0x1  }
0x9: {  	v0 =	vimm.f32 $-Inf;
	v1 =	vimm.s32 $0x0;
	v2 =	vlaneseq.u32;
	s31 =	sshll.u32 s4, $0x6;
	s8 =	sshll.u32 s8, $0x5;
	s9 =	ssub.s32 s9, s10  }
0xa: {  	v3 =	vimm.s32 $0x1880;
	v4 =	vor.u32 $0x80000010, v2;
	v5 =	vor.u32 $0x80000000, v2;
	s8 =	sor.u32 s8, s31;
	s10 =	simm.s32 $0x1A080;
	s9 =	smax.u32 s9, $0x1  }
.LBB2_1:
0xb: {  	s17 =	simm.s32 $0x0  }
.LBB2_2:
0xc: {  	s18 =	sadd.s32 s8, s17  }
0xd: {  	s19 =	sshll.u32 s17, $0x7;
	s18 =	sshrl.u32 s18, $0x3  }
0xe: {  	s19 =	sand.u32 $0x380, s19;
	s20 =	sshll.u32 s18, $0xA  }
0xf: {  	s20 =	sor.u32 s19, s20  }
0x10: {  	s20 =	sshrl.u32 s20, $0x3  }
0x11: {  	s26 =	smul.u32 $0xC400, s18;
	s21 =	sadd.s32 s1, s20;
	s20 =	simm.s32 $0x0  }
0x12: {  	[tilespmem:s10], [sflag:$0x1] =	stream.linear.gather [hbm4b:s21+s20], $0x80, $0x38;
	[tilespmem:$0x1A480] =	vst v63  }
0x13: {  	s21 =	sor.u32 s19, s26;
	_ =	swait.ge [sflag:s11], $0x80  }
0x14: {  	s28 =	simm.s32 $0x18800;
	s21 =	sshrl.u32 s21, $0x3;
	[sflag:s11] =	ssyncset.done $0x0  }
0x15: {  	s23 =	smul.u32 $0xC4000, s18;
	s22 =	sadd.s32 s5, s21;
	[sflag:s11] =	ssyncadd.s32 $0xFFFFFF80  }
0x16: {  	[tilespmem:s28], [sflag:$0x1] =	stream.strided.gather [hbm4b:s22+s12], $0x1880, s13, s12, $0x38;
	[tilespmem:$0x1A480] =	vst v63  }
0x17: {  	s29 =	sor.u32 s19, s23;
	_ =	swait.ge [sflag:s11], $0x1880  }
0x18: {  	s22 =	sshrl.u32 s29, $0x3;
	[sflag:s11] =	ssyncset.done $0x0  }
0x19: {  	s22 =	sadd.s32 s3, s22;
	[sflag:s11] =	ssyncadd.s32 $0xFFFFE780  }
0x1a: {  	[tilespmem:s20], [sflag:$0x1] =	stream.strided.gather [hbm4b:s22+s12], $0x18800, s13, s12, $0x38;
	[tilespmem:$0x1A480] =	vst v63  }
0x1b: {  	_ =	swait.ge [sflag:s11], $0x18800  }
0x1c: {  	[sflag:s11] =	ssyncset.done $0x0  }
0x1d: {  	[sflag:s11] =	ssyncadd.s32 $0xFFFE7800  }
0x1e: {  	[tilespmem:$0x1A280] =	vst v0  }
0x1f: {  	[tilespmem:$0x1A380] =	vst v1  }
0x20: {  	[tilespmem:$0x1A290] =	vst v0  }
0x21: {  	[tilespmem:$0x1A390] =	vst v1  }
0x22: {  	[tilespmem:$0x1A2A0] =	vst v0  }
0x23: {  	[tilespmem:$0x1A3A0] =	vst v1  }
0x24: {  	[tilespmem:$0x1A2B0] =	vst v0  }
0x25: {  	[tilespmem:$0x1A3B0] =	vst v1  }
0x26: {  	[tilespmem:$0x1A2C0] =	vst v0  }
0x27: {  	[tilespmem:$0x1A3C0] =	vst v1  }
0x28: {  	[tilespmem:$0x1A2D0] =	vst v0  }
0x29: {  	[tilespmem:$0x1A3D0] =	vst v1  }
0x2a: {  	[tilespmem:$0x1A2E0] =	vst v0  }
0x2b: {  	[tilespmem:$0x1A3E0] =	vst v1  }
0x2c: {  	[tilespmem:$0x1A2F0] =	vst v0  }
0x2d: {  	[tilespmem:$0x1A3F0] =	vst v1  }
0x2e: {  	[tilespmem:$0x1A300] =	vst v0  }
0x2f: {  	[tilespmem:$0x1A400] =	vst v1  }
0x30: {  	[tilespmem:$0x1A310] =	vst v0  }
0x31: {  	[tilespmem:$0x1A410] =	vst v1  }
0x32: {  	[tilespmem:$0x1A320] =	vst v0  }
0x33: {  	[tilespmem:$0x1A420] =	vst v1  }
0x34: {  	[tilespmem:$0x1A330] =	vst v0  }
0x35: {  	[tilespmem:$0x1A430] =	vst v1  }
0x36: {  	[tilespmem:$0x1A340] =	vst v0  }
0x37: {  	[tilespmem:$0x1A440] =	vst v1  }
0x38: {  	[tilespmem:$0x1A350] =	vst v0  }
0x39: {  	[tilespmem:$0x1A450] =	vst v1  }
0x3a: {  	[tilespmem:$0x1A360] =	vst v0  }
0x3b: {  	[tilespmem:$0x1A460] =	vst v1  }
0x3c: {  	[tilespmem:$0x1A370] =	vst v0  }
0x3d: {  	[tilespmem:$0x1A470] =	vst v1  }
0x3e: {  	[tilespmem:$0x1A100] =	vst v3  }
0x3f: {  	[tilespmem:$0x1A110] =	vst v3  }
0x40: {  	[tilespmem:$0x1A120] =	vst v3  }
0x41: {  	[tilespmem:$0x1A130] =	vst v3  }
0x42: {  	[tilespmem:$0x1A140] =	vst v3  }
0x43: {  	[tilespmem:$0x1A150] =	vst v3  }
0x44: {  	[tilespmem:$0x1A160] =	vst v3  }
0x45: {  	[tilespmem:$0x1A170] =	vst v3  }
0x46: {  	[tilespmem:$0x1A180] =	vst v3  }
0x47: {  	[tilespmem:$0x1A190] =	vst v3  }
0x48: {  	[tilespmem:$0x1A1A0] =	vst v3  }
0x49: {  	[tilespmem:$0x1A1B0] =	vst v3  }
0x4a: {  	[tilespmem:$0x1A1C0] =	vst v3  }
0x4b: {  	[tilespmem:$0x1A1D0] =	vst v3  }
0x4c: {  	[tilespmem:$0x1A1E0] =	vst v3  }
0x4d: {  	[tilespmem:$0x1A1F0] =	vst v3  }
0x4e: {  	v6 =	vld [tilespmem:$0x1A080];
	[tilespmem:$0x1A200] =	vst v3  }
0x4f: {  	v7 =	vld [tilespmem:s28+$0x0];
	_ =	sdelay $0x4  }
0x50: {  	vm0 =	vge.f32 v7, v6;
	v7 =	vor.u32 s20, v2  }
0x51: {  	v7 =	vnsel vm0, $0x1880, v7;
	v8 =	vsel vm0, $0x1, v1  }
0x52: {  	v9 =	vor.u32 $0x80000000, v7;
	(xrf0) =	vadd.scan.msk.s32 $0xffff, v8  }
0x53: {  	(xrf1) =	vsort.ascd.msk.u32 $0xffff, v9, v7;
	_ =	sdelay $0x4  }
0x54: {  	v7, _, _ =	vpop (xrf0)  }
0x55: {  	(v2sf) =	vpush v7, $0xF;
	_ =	sdelay $0x7  }
0x56: {  	v7, _, _ =	vpop (xrf1)  }
0x57: {  	v7 =	vxor.u32 $0x80000000, v7  }
0x58: {  	s22 =	simm.s32 $0x18810;
	[tilespmem:s20+$0x1A100] =	vst v7  }
0x59: {  	v7 =	vld [tilespmem:s22+$0x0];
	_ =	sdelay $0x3  }
0x5a: {  	s30 =	simm.s32 $0x10;
	s31 =	spop (v2sf)  }
0x5b: {  	vm15 =	vge.f32 v7, v6;
	v7 =	vor.u32 s30, v2;
	s21 =	sadd.s32 $0x0, s31  }
0x5c: {  	s23 =	simm.s32 $0x20;
	v7 =	vnsel vm15, $0x1880, v7;
	v8 =	vsel vm15, $0x1, v1;
	p1 =	slt.s32 s21, $0x100  }
.LBB2_3:
0x5d: {  	p0 =	sne.s32 s23, $0x1870  }
0x5e: {  	v9 =	vor.u32 $0x80000000, v7;
	(xrf0) =	vadd.scan.msk.s32 $0xffff, v8;
	s21 =	simm.s32 @!p1 $0x100;
	s24 =	smov.u32 s23;
	s23 =	sadd.s32 $0x10, s23  }
0x5f: {  	(xrf1) =	vsort.ascd.msk.u32 $0xffff, v9, v7;
	_ =	sdelay $0x4  }
0x60: {  	v7, _, _ =	vpop (xrf0)  }
0x61: {  	(v2sf) =	vpush v7, $0xF;
	_ =	sdelay $0x7  }
0x62: {  	v7, _, _ =	vpop (xrf1)  }
0x63: {  	v7 =	vxor.u32 $0x80000000, v7  }
0x64: {  	s22 =	sadd.s32 $0x10, s22;
	[tilespmem:s21+$0x1A100] =	vst v7  }
0x65: {  	v7 =	vld [tilespmem:s22+$0x0];
	_ =	sdelay $0x1  }
.Ltmp0:
0x66: {  	(pc) =	sbr.rel @p0 .LBB2_3-.Ltmp0, $4  }
0x67: {  	_ = 	snop  }
0x68: {  	s25 =	spop (v2sf)  }
0x69: {  	vm0 =	vge.f32 v7, v6;
	v7 =	vor.u32 s24, v2;
	s21 =	sadd.s32 s21, s25  }
0x6a: {  	v7 =	vnsel vm0, $0x1880, v7;
	v8 =	vsel vm0, $0x1, v1;
	p1 =	slt.s32 s21, $0x100  }
0x6b: {  	(xrf0) =	vadd.scan.msk.s32 $0xffff, v8;
	_ =	sdelay $0x4  }
0x6c: {  	v8 =	vor.u32 $0x80000000, v7  }
0x6d: {  	(xrf1) =	vsort.ascd.msk.u32 $0xffff, v8, v7;
	v7, _, _ =	vpop (xrf0)  }
0x6e: {  	(v2sf) =	vpush v7, $0xF;
	_ =	sdelay $0xc  }
0x6f: {  	v7, _, _ =	vpop (xrf1)  }
0x70: {  	s21 =	simm.s32 @!p1 $0x100;
	v7 =	vxor.u32 $0x80000000, v7  }
0x71: {  	[tilespmem:s21+$0x1A100] =	vst v7;
	s21 =	simm.s32 $0x0;
	s31 =	spop (v2sf)  }
.LBB2_5:
0x72: {  	s22 =	sshll.u32 s21, $0x4  }
0x73: {  	s22 =	sand.u32 $0x3FFFFFF0, s22  }
0x74: {  	v8 =	vld [tilespmem:s22+$0x1A100];
	_ =	sdelay $0x4  }
0x75: {  	v7 =	vshll.u32 v8, $0x4  }
0x76: {  	v9 =	vand.u32 $0x7F, v8;
	v7 =	vand.u32 $0xFFFFF800, v7  }
0x77: {  	s29 =	simm.s32 $0x0;
	vm0 =	vlt.s32 v8, $0x1880;
	v7 =	vor.u32 v9, v7  }
0x78: {  	v8 =	vor.u32 s29, v7;
	_ =	sdelay $0x4  }
0x79: {  	v9 =	vld.idx.msk [tilespmem:v8+s2+$0x0], vm0;
	_ =	sdelay $0x4  }
0x7a: {  	vm1 =	vge.f32 v9, v6  }
0x7b: {  	vm1 =	vmand vm0, vm1  }
0x7c: {  	v10 =	vsel vm1, $0x1, v1  }
0x7d: {  	(xrf0) =	vadd.scan.msk.s32 $0xffff, v10  }
0x7e: {  	v9 =	vnsel vm1, $0xFF800000, v9;
	v10 =	vsel vm1, v5, v4  }
0x7f: {  	v8 =	vnsel vm1, $0x0, v8;
	(xrf1) =	vsort.ascd.msk.u32 $0xffff, v10, v9  }
0x80: {  	(xrf1) =	vsort.ascd.msk.u32 $0xffff, v10, v8;
	_ =	sdelay $0x2  }
0x81: {  	v8, _, _ =	vpop (xrf0)  }
0x82: {  	(v2sf) =	vpush v8, $0xF;
	_ =	sdelay $0x5  }
0x83: {  	s30 =	simm.s32 $0x80  }
0x84: {  	v8 =	vor.u32 s30, v7;
	_ =	sdelay $0x1  }
0x85: {  	_, v9, _ =	vpop (xrf1)  }
0x86: {  	[tilespmem:s20+$0x1A280] =	vst v9;
	_, v9, _ =	vpop (xrf1)  }
0x87: {  	[tilespmem:s20+$0x1A380] =	vst v9  }
0x88: {  	v9 =	vld.idx.msk [tilespmem:v8+s2+$0x0], vm0;
	_ =	sdelay $0x2  }
0x89: {  	s31 =	spop (v2sf)  }
0x8a: {  	s22 =	sadd.s32 s20, s31  }
0x8b: {  	s20 =	simm.s32 $0x100;
	vm1 =	vge.f32 v9, v6;
	p1 =	slt.s32 s22, $0xF0  }
.LBB2_6:
0x8c: {  	p0 =	sne.s32 s20, $0x780  }
0x8d: {  	vm1 =	vmand vm0, vm1;
	s22 =	simm.s32 @!p1 $0xF0;
	s23 =	smov.u32 s20;
	s20 =	sadd.s32 $0x80, s20  }
0x8e: {  	v9 =	vnsel vm1, $0xFF800000, v9;
	v8 =	vnsel vm1, $0x0, v8;
	v10 =	vsel vm1, $0x1, v1  }
0x8f: {  	v11 =	vsel vm1, v5, v4;
	(xrf0) =	vadd.scan.msk.s32 $0xffff, v10  }
0x90: {  	(xrf1) =	vsort.ascd.msk.u32 $0xffff, v11, v9  }
0x91: {  	(xrf1) =	vsort.ascd.msk.u32 $0xffff, v11, v8;
	_ =	sdelay $0x3  }
0x92: {  	v8, _, _ =	vpop (xrf0)  }
0x93: {  	(v2sf) =	vpush v8, $0xF;
	_ =	sdelay $0x5  }
0x94: {  	v8 =	vor.u32 s23, v7;
	_ =	sdelay $0x1  }
0x95: {  	_, v9, _ =	vpop (xrf1)  }
0x96: {  	[tilespmem:s22+$0x1A280] =	vst v9;
	_, v9, _ =	vpop (xrf1)  }
0x97: {  	[tilespmem:s22+$0x1A380] =	vst v9  }
0x98: {  	v9 =	vld.idx.msk [tilespmem:v8+s2+$0x0], vm0;
	_ =	sdelay $0x1  }
.Ltmp1:
0x99: {  	(pc) =	sbr.rel @p0 .LBB2_6-.Ltmp1, $4  }
0x9a: {  	_ = 	snop  }
0x9b: {  	s23 =	spop (v2sf)  }
0x9c: {  	s22 =	sadd.s32 s22, s23  }
0x9d: {  	vm1 =	vge.f32 v9, v6;
	p1 =	slt.s32 s22, $0xF0  }
0x9e: {  	vm0 =	vmand vm0, vm1  }
0x9f: {  	v7 =	vsel vm0, $0x1, v1  }
0xa0: {  	(xrf0) =	vadd.scan.msk.s32 $0xffff, v7;
	_ =	sdelay $0x5  }
0xa1: {  	v7, _, _ =	vpop (xrf0)  }
0xa2: {  	(v2sf) =	vpush v7, $0xF  }
0xa3: {  	v63 =	vsel vm0, v5, v4;
	v7 =	vnsel vm0, $0xFF800000, v9  }
0xa4: {  	v8 =	vnsel vm0, $0x0, v8;
	(xrf1) =	vsort.ascd.msk.u32 $0xffff, v63, v7  }
0xa5: {  	(xrf1) =	vsort.ascd.msk.u32 $0xffff, v63, v8;
	_ =	sdelay $0x8  }
0xa6: {  	s21 =	sadd.s32 $0x1, s21  }
0xa7: {  	s22 =	simm.s32 @!p1 $0xF0;
	p1 =	sne.s32 s21, $0x10  }
.Ltmp2:
0xa8: {  	_ = 	snop;
	(pc) =	sbr.rel @p1 .LBB2_5-.Ltmp2, $4  }
0xa9: {  	s20 =	spop (v2sf)  }
0xaa: {  	_, v7, _ =	vpop (xrf1);
	s20 =	sadd.s32 s22, s20  }
0xab: {  	[tilespmem:s22+$0x1A280] =	vst v7;
	_, v7, _ =	vpop (xrf1);
	p0 =	slt.s32 s20, $0xF0  }
0xac: {  	[tilespmem:s22+$0x1A380] =	vst v7;
	s20 =	simm.s32 @!p0 $0xF0  }
0xad: {  	s18 =	sshll.u32 s18, $0xB  }
0xae: {  	s18 =	sor.u32 s19, s18  }
0xaf: {  	s18 =	sshrl.u32 s18, $0x3  }
0xb0: {  	s31 =	sadd.s32 s6, s18  }
0xb1: {  	[hbm4b:s31+s12] =	stream.strided.scatter [tilespmem:s14], [sflag:$0x1], $0x100, s13, s12, $0x38;
	[tilespmem:$0x1A480] =	vst v63  }
0xb2: {  	s17 =	sadd.s32 $0x1, s17;
	_ =	swait.ge [sflag:s11], $0x100  }
0xb3: {  	p0 =	sne.s32 s17, $0x20;
	[sflag:s11] =	ssyncset.done $0x0  }
.Ltmp3:
0xb4: {  	s18 =	sadd.s32 s7, s18;
	[sflag:s11] =	ssyncadd.s32 $0xFFFFFF00;
	(pc) =	sbr.rel @p0 .LBB2_2-.Ltmp3, $4  }
0xb5: {  	[hbm4b:s18+s12] =	stream.strided.scatter [tilespmem:s15], [sflag:$0x1], $0x100, s13, s12, $0x38;
	[tilespmem:$0x1A480] =	vst v63  }
0xb6: {  	_ =	swait.ge [sflag:s11], $0x100  }
0xb7: {  	[sflag:s11] =	ssyncset.done $0x0  }
0xb8: {  	[sflag:s11] =	ssyncadd.s32 $0xFFFFFF00  }
0xb9: {  	s16 =	sadd.s32 $0x1, s16  }
0xba: {  	p0 =	sne.s32 s16, s9  }
.Ltmp4:
0xbb: {  	_ = 	snop;
	(pc) =	sbr.rel @p0 .LBB2_1-.Ltmp4, $1  }
0xbc: {  	_ =	sdelay $0x3  }
0xbd: {  	_ =	sfence.sel $0x180000  }
0xbe: {  	[bflag:$0x0] =	sbarrier.arrive $0xFFFF  }
0xbf: {  	p0 =	sne.s32 s4, $0x0;
	_ =	strace $0x90000047  }
0xc0: {  	s0 =	sadd.s32 @!p0 $0x100000, s0;
	[bflag:$0x2] =	sbarrier.arrive $0xFFFF  }
0xc1: {  	[sflag:s0] =	ssyncadd.tile.s32 @!p0 $0x1;
	_ =	shalt  }
.Lfunc_end2:
_tile_overlayer_lowered:
.L_overlay_start_2:
0xc2: {  	(tag) =	ssettag $0x2  }
0xc3: {  	s0 =	rddreg [dreg:$0x0];
	s2 =	stileid.u32  }
0xc4: {  	s1 =	rddreg [dreg:$0x1];
	p0 =	sne.s32 s2, $0x0  }
0xc5: {  	s3 =	rddreg [dreg:$0x2];
	[bflag:$0x3] =	sbarrier.arrive $0xFFFF;
	s2 =	simm.s32 @!p0 $0x1C01  }
0xc6: {  	[timem:s3], [sflag:s2] =	dma.local @!p0 [hbm:s0], s1  }
0xc7: {  	s0 =	simm.s32 @!p0 $0x1  }
0xc8: {  	_ =	swait.ge @!p0 [sflag:s0], s1  }
0xc9: {  	s1 =	ssub.s32 @!p0 $0x0, s1;
	[sflag:s0] =	ssyncset.done @!p0 $0x0  }
0xca: {  	[sflag:s0] =	ssyncadd.s32 @!p0 s1  }
0xcb: {  	[bflag:$0x3] =	sbarrier.arrive $0xFFFF  }
0xcc: {  	_ =	shalt  }

</sc_bundles>
